<compile_context>
chip_gen: v7x
topology: tpu7x:2x2x1
jax: 0.10.2.dev20260603
libtpu: 0.0.44.dev20260713+nightly
codegen_flags: <defaults>
</compile_context>

<pallas_src>
import jax
import jax.numpy as jnp
from jax import lax
from jax.experimental import pallas as pl
from jax.experimental.pallas import tpu as pltpu
from jax.experimental.pallas import tpu_sc as plsc

N, D, H, K = 4096, 256, 256, 16
RB = 256
NB = N // RB
BIG = 3.0e38

NC, NS, LANES = 2, 16, 16
NW = NC * NS
NPW = N // NW
EPW = NPW * K
GRP = NPW // LANES


def _mlp_body(x_ref, w1_ref, b1_ref, w2_ref, b2_ref, gw1_ref,
              h_ref, m1_ref, sq_ref):
    x = x_ref[...]
    h1 = jnp.maximum(jnp.dot(x, w1_ref[...]) + b1_ref[...], 0.0)
    h = jnp.dot(h1, w2_ref[...]) + b2_ref[...]
    h_ref[...] = h
    m1_ref[...] = jnp.dot(x, gw1_ref[...])
    sq_ref[...] = jnp.sum(h * h, axis=1, keepdims=True)


def _knn_body(hblk_ref, sqblk_ref, h_ref, sqrow_ref,
              idx_ref, val_ref, deg_ref, a_ref):
    g = lax.dot_general(hblk_ref[...], h_ref[...], (((1,), (1,)), ((), ())))
    d2 = jnp.maximum(sqblk_ref[...] + sqrow_ref[...] - 2.0 * g, 0.0)
    work = d2
    col = lax.broadcasted_iota(jnp.int32, (RB, N), 1)
    deg = jnp.zeros((RB, 1), jnp.float32)
    for t in range(K):
        v = jnp.min(work, axis=1, keepdims=True)
        j = jnp.min(jnp.where(work == v, col, N), axis=1, keepdims=True)
        val_ref[:, t:t + 1] = v
        idx_ref[:, t:t + 1] = j
        deg = deg + v
        work = jnp.where(col == j, BIG, work)
    deg_ref[...] = deg
    a_ref[...] = jnp.where(work == BIG, d2, 0.0)


def _rsm_body(deg_ref, m1_ref, rs_ref, m1s_ref):
    deg = deg_ref[...]
    rs = jnp.where(deg > 0.0, 1.0 / jnp.sqrt(deg), 0.0)
    rs_ref[...] = rs
    m1s_ref[...] = rs * m1_ref[...]


def _gcn1_body(a_ref, rsblk_ref, m1s_ref, gb1_ref, gw2_ref, m2_ref):
    agg = jnp.dot(a_ref[...], m1s_ref[...]) * rsblk_ref[...]
    h1 = jnp.maximum(agg + gb1_ref[...], 0.0)
    m2_ref[...] = jnp.dot(h1, gw2_ref[...])


def _sc_gcn2(idx_hbm, vals_hbm, rs_hbm, m2_hbm, gb2_hbm,
             out_hbm,
             idx_v, vals_v, rs_v, m2_v, gb2_v, out_v):
    wid = lax.axis_index("s") * NC + lax.axis_index("c")
    base = wid * NPW
    ebase = base * K
    pltpu.sync_copy(idx_hbm.at[pl.ds(ebase, EPW)], idx_v)
    pltpu.sync_copy(vals_hbm.at[pl.ds(ebase, EPW)], vals_v)
    pltpu.sync_copy(rs_hbm, rs_v)
    pltpu.sync_copy(m2_hbm, m2_v)
    pltpu.sync_copy(gb2_hbm, gb2_v)
    lane = lax.broadcasted_iota(jnp.int32, (LANES,), 0)

    def grp_body(r, carry):
        def node_body(i, ovec):
            n = r * LANES + i
            gnode = base + n
            idxs = idx_v[pl.ds(n * K, K)]
            v16 = vals_v[pl.ds(n * K, K)]
            w16 = (v16 * plsc.load_gather(rs_v, [idxs])
                   * plsc.load_gather(rs_v, [jnp.full((LANES,), gnode,
                                                      jnp.int32)]))
            s = jnp.sum(w16 * plsc.load_gather(m2_v, [idxs]))
            return jnp.where(lane == i, s, ovec)

        ovec = lax.fori_loop(0, LANES, node_body,
                             jnp.zeros((LANES,), jnp.float32))
        out_v[pl.ds(r * LANES, LANES)] = ovec + gb2_v[...]
        return carry

    lax.fori_loop(0, GRP, grp_body, 0)
    pltpu.sync_copy(out_v, out_hbm.at[pl.ds(base, NPW)])


def kernel(x, train_mask, valid_mask, test_mask,
           W1, b1, W2, b2, GW1, Gb1, GW2, Gb2):
    b1r = b1.reshape(1, H)
    b2r = b2.reshape(1, H)

    h, m1, sq = pl.pallas_call(
        _mlp_body,
        grid=(NB,),
        in_specs=[
            pl.BlockSpec((RB, D), lambda i: (i, 0)),
            pl.BlockSpec((D, H), lambda i: (0, 0)),
            pl.BlockSpec((1, H), lambda i: (0, 0)),
            pl.BlockSpec((H, H), lambda i: (0, 0)),
            pl.BlockSpec((1, H), lambda i: (0, 0)),
            pl.BlockSpec((D, H), lambda i: (0, 0)),
        ],
        out_specs=[
            pl.BlockSpec((RB, H), lambda i: (i, 0)),
            pl.BlockSpec((RB, H), lambda i: (i, 0)),
            pl.BlockSpec((RB, 1), lambda i: (i, 0)),
        ],
        out_shape=[
            jax.ShapeDtypeStruct((N, H), jnp.float32),
            jax.ShapeDtypeStruct((N, H), jnp.float32),
            jax.ShapeDtypeStruct((N, 1), jnp.float32),
        ],
    )(x, W1, b1r, W2, b2r, GW1)

    sq_row = sq.reshape(1, N)
    idx, vals, deg, a_un = pl.pallas_call(
        _knn_body,
        grid=(NB,),
        in_specs=[
            pl.BlockSpec((RB, H), lambda i: (i, 0)),
            pl.BlockSpec((RB, 1), lambda i: (i, 0)),
            pl.BlockSpec((N, H), lambda i: (0, 0)),
            pl.BlockSpec((1, N), lambda i: (0, 0)),
        ],
        out_specs=[
            pl.BlockSpec((RB, K), lambda i: (i, 0)),
            pl.BlockSpec((RB, K), lambda i: (i, 0)),
            pl.BlockSpec((RB, 1), lambda i: (i, 0)),
            pl.BlockSpec((RB, N), lambda i: (i, 0)),
        ],
        out_shape=[
            jax.ShapeDtypeStruct((N, K), jnp.int32),
            jax.ShapeDtypeStruct((N, K), jnp.float32),
            jax.ShapeDtypeStruct((N, 1), jnp.float32),
            jax.ShapeDtypeStruct((N, N), jnp.float32),
        ],
    )(h, sq, h, sq_row)

    rs, m1s = pl.pallas_call(
        _rsm_body,
        grid=(1,),
        in_specs=[
            pl.BlockSpec((N, 1), lambda i: (0, 0)),
            pl.BlockSpec((N, H), lambda i: (0, 0)),
        ],
        out_specs=[
            pl.BlockSpec((N, 1), lambda i: (0, 0)),
            pl.BlockSpec((N, H), lambda i: (0, 0)),
        ],
        out_shape=[
            jax.ShapeDtypeStruct((N, 1), jnp.float32),
            jax.ShapeDtypeStruct((N, H), jnp.float32),
        ],
    )(deg, m1)

    gb1r = Gb1.reshape(1, H)
    gw2r = GW2.reshape(H, 1)
    m2 = pl.pallas_call(
        _gcn1_body,
        grid=(NB,),
        in_specs=[
            pl.BlockSpec((RB, N), lambda i: (i, 0)),
            pl.BlockSpec((RB, 1), lambda i: (i, 0)),
            pl.BlockSpec((N, H), lambda i: (0, 0)),
            pl.BlockSpec((1, H), lambda i: (0, 0)),
            pl.BlockSpec((H, 1), lambda i: (0, 0)),
        ],
        out_specs=pl.BlockSpec((RB, 1), lambda i: (i, 0)),
        out_shape=jax.ShapeDtypeStruct((N, 1), jnp.float32),
    )(a_un, rs, m1s, gb1r, gw2r)

    idx_flat = idx.reshape(-1)
    vals_flat = vals.reshape(-1)
    mesh = plsc.VectorSubcoreMesh(core_axis_name="c", subcore_axis_name="s",
                                  num_cores=NC, num_subcores=NS)
    gb2_b = jnp.broadcast_to(Gb2.reshape(-1)[:1], (LANES,))
    out_flat = pl.kernel(
        _sc_gcn2,
        out_type=jax.ShapeDtypeStruct((N,), jnp.float32),
        mesh=mesh,
        scratch_types=[
            pltpu.VMEM((EPW,), jnp.int32),
            pltpu.VMEM((EPW,), jnp.float32),
            pltpu.VMEM((N,), jnp.float32),
            pltpu.VMEM((N,), jnp.float32),
            pltpu.VMEM((LANES,), jnp.float32),
            pltpu.VMEM((NPW,), jnp.float32),
        ],
        compiler_params=pltpu.CompilerParams(needs_layout_passes=False),
    )(idx_flat, vals_flat, rs.reshape(-1), m2.reshape(-1), gb2_b)
    out = out_flat.reshape(N, 1)

    src = idx_flat
    dst = jnp.repeat(jnp.arange(N, dtype=jnp.int32), K)
    edge_index = jnp.stack([src, dst], axis=0)
    edge_attr = vals_flat
    return (out, edge_index, edge_attr)

# --- scband reference (transcript-rebuilt; emitter-appended) ---
"""Pipeline reference for scband-mlp-knn-gnn-89644557403165 (READ-ONLY COPY).

The authoritative reference and input builder live on the scoring server;
editing this copy changes nothing except your own understanding.
"""

import jax, jax.numpy as jnp
import numpy as np

N, D, H, K = 4096, 256, 256, 16

def setup_inputs(seed: int = 0) -> dict:
    key = jax.random.key(seed)
    ks = jax.random.split(key, 12)
    x = jax.random.normal(ks[0], (N, D), dtype=jnp.float32)
    train_mask = jnp.ones((N,), dtype=bool)
    valid_mask = jnp.ones((N,), dtype=bool)
    test_mask = jnp.ones((N,), dtype=bool)
    s = 1.0 / np.sqrt(D)
    W1 = jax.random.normal(ks[1], (D, H), dtype=jnp.float32) * s
    b1 = jnp.zeros((H,), dtype=jnp.float32)
    W2 = jax.random.normal(ks[2], (H, H), dtype=jnp.float32) * (1.0 / np.sqrt(H))
    b2 = jnp.zeros((H,), dtype=jnp.float32)
    GW1 = jax.random.normal(ks[3], (D, H), dtype=jnp.float32) * s
    Gb1 = jnp.zeros((H,), dtype=jnp.float32)
    GW2 = jax.random.normal(ks[4], (H, 1), dtype=jnp.float32) * (1.0 / np.sqrt(H))
    Gb2 = jnp.zeros((1,), dtype=jnp.float32)
    return {"x": x, "train_mask": train_mask, "valid_mask": valid_mask, "test_mask": test_mask,
            "W1": W1, "b1": b1, "W2": W2, "b2": b2,
            "GW1": GW1, "Gb1": Gb1, "GW2": GW2, "Gb2": Gb2}

def reference(x, train_mask, valid_mask, test_mask, W1, b1, W2, b2, GW1, Gb1, GW2, Gb2):
    n = x.shape[0]
    # MLP (eval mode, dropout=0): relu hidden then linear out
    h = jax.nn.relu(x @ W1 + b1)
    h = h @ W2 + b2
    # knn_graph_fast: brute-force squared-euclidean kNN, loop=True (self included),
    # flow=source_to_target -> edges (neighbor_src -> node_dst)
    sq = jnp.sum(h * h, axis=1)
    d2 = sq[:, None] + sq[None, :] - 2.0 * (h @ h.T)
    d2 = jnp.maximum(d2, 0.0)
    neg_vals, idx = jax.lax.top_k(-d2, K)
    src = idx.reshape(-1)
    dst = jnp.repeat(jnp.arange(n), K)
    edge_attr = jnp.maximum(-neg_vals, 0.0).reshape(-1)  # squared distances as edge weights
    edge_index = jnp.stack([src, dst], axis=0)
    # GCN on ORIGINAL features with edge_weight = edge_attr, symmetric degree norm
    deg = jax.ops.segment_sum(edge_attr, dst, num_segments=n)
    norm = edge_attr / jnp.sqrt(deg[src] * deg[dst] + 1e-8)
    def gcn_layer(feat, W, b):
        m = feat @ W
        out = jax.ops.segment_sum(m[src] * norm[:, None], dst, num_segments=n)
        return out + b
    h1 = jax.nn.relu(gcn_layer(x, GW1, Gb1))
    out = gcn_layer(h1, GW2, Gb2)
    return (out, edge_index, edge_attr)

if __name__ == "__main__":
    import jax
    _d = setup_inputs()
    print(jax.jit(kernel)(*tuple(_d.values())))

</pallas_src>

<mosaic_0001>
#map = affine_map<(d0, d1) -> (0)>
module attributes {stable_mosaic.version = 14 : i64} {
  func.func @_sc_gcn2(%arg0: i32, %arg1: i32, %arg2: memref<65536xi32, #tpu.memory_space<hbm>>, %arg3: memref<65536xf32, #tpu.memory_space<hbm>>, %arg4: memref<4096xf32, #tpu.memory_space<hbm>>, %arg5: memref<4096xf32, #tpu.memory_space<hbm>>, %arg6: memref<16xf32, #tpu.memory_space<hbm>>, %arg7: memref<4096xf32, #tpu.memory_space<hbm>>, %arg8: memref<2048xi32, #tpu.memory_space<vmem>>, %arg9: memref<2048xf32, #tpu.memory_space<vmem>>, %arg10: memref<4096xf32, #tpu.memory_space<vmem>>, %arg11: memref<4096xf32, #tpu.memory_space<vmem>>, %arg12: memref<16xf32, #tpu.memory_space<vmem>>, %arg13: memref<128xf32, #tpu.memory_space<vmem>>) attributes {dimension_semantics = [#tpu.dimension_semantics<core_parallel>, #tpu.dimension_semantics<subcore_parallel>], iteration_bounds = array<i64: 2, 16>, scalar_prefetch = 0 : i64, scratch_operands = 6 : i64, tpu.core_type = #tpu.core_type<sc_vector_subcore>, window_params = [{transform_indices = #map}, {transform_indices = #map}, {transform_indices = #map}, {transform_indices = #map}, {transform_indices = #map}, {transform_indices = #map}]} {
    %mul3A = arith.constant 2 : i32
    %mul3A_0 = arith.muli %arg1, %mul3A : i32
    %add3A = arith.addi %mul3A_0, %arg0 : i32
    %mul3A_1 = arith.constant 128 : i32
    %mul3A_2 = arith.muli %add3A, %mul3A_1 : i32
    %mul3A_3 = arith.constant 16 : i32
    %mul3A_4 = arith.muli %mul3A_2, %mul3A_3 : i32
    "tpu.region"() ({
      %run_scoped3A = tpu.sem_alloc : memref<!tpu.dma_semaphore, #tpu.memory_space<semaphore_mem>>
      %dma_start3A = tpu.memref_slice %arg2[%mul3A_4] : memref<65536xi32, #tpu.memory_space<hbm>> -> memref<2048xi32, #tpu.memory_space<hbm>>
      %dma_start3A_10 = tpu.memref_slice %arg2[%mul3A_4] : memref<65536xi32, #tpu.memory_space<hbm>> -> memref<2048xi32, #tpu.memory_space<hbm>>
      tpu.enqueue_dma source(%dma_start3A_10 : memref<2048xi32, #tpu.memory_space<hbm>>) target(%arg8 : memref<2048xi32, #tpu.memory_space<vmem>>) target_semaphore(%run_scoped3A : memref<!tpu.dma_semaphore, #tpu.memory_space<semaphore_mem>>)
      %dma_wait3A = tpu.memref_slice %arg2[%mul3A_4] : memref<65536xi32, #tpu.memory_space<hbm>> -> memref<2048xi32, #tpu.memory_space<hbm>>
      %dma_wait3A_11 = tpu.memref_slice %arg2[%mul3A_4] : memref<65536xi32, #tpu.memory_space<hbm>> -> memref<2048xi32, #tpu.memory_space<hbm>>
      tpu.wait_dma2 semaphore(%run_scoped3A : memref<!tpu.dma_semaphore, #tpu.memory_space<semaphore_mem>>) src(%dma_wait3A_11 : memref<2048xi32, #tpu.memory_space<hbm>>) dst(%arg8 : memref<2048xi32, #tpu.memory_space<vmem>>)
      tpu.yield
    }) : () -> ()
    "tpu.region"() ({
      %run_scoped3A = tpu.sem_alloc : memref<!tpu.dma_semaphore, #tpu.memory_space<semaphore_mem>>
      %dma_start3A = tpu.memref_slice %arg3[%mul3A_4] : memref<65536xf32, #tpu.memory_space<hbm>> -> memref<2048xf32, #tpu.memory_space<hbm>>
      %dma_start3A_10 = tpu.memref_slice %arg3[%mul3A_4] : memref<65536xf32, #tpu.memory_space<hbm>> -> memref<2048xf32, #tpu.memory_space<hbm>>
      tpu.enqueue_dma source(%dma_start3A_10 : memref<2048xf32, #tpu.memory_space<hbm>>) target(%arg9 : memref<2048xf32, #tpu.memory_space<vmem>>) target_semaphore(%run_scoped3A : memref<!tpu.dma_semaphore, #tpu.memory_space<semaphore_mem>>)
      %dma_wait3A = tpu.memref_slice %arg3[%mul3A_4] : memref<65536xf32, #tpu.memory_space<hbm>> -> memref<2048xf32, #tpu.memory_space<hbm>>
      %dma_wait3A_11 = tpu.memref_slice %arg3[%mul3A_4] : memref<65536xf32, #tpu.memory_space<hbm>> -> memref<2048xf32, #tpu.memory_space<hbm>>
      tpu.wait_dma2 semaphore(%run_scoped3A : memref<!tpu.dma_semaphore, #tpu.memory_space<semaphore_mem>>) src(%dma_wait3A_11 : memref<2048xf32, #tpu.memory_space<hbm>>) dst(%arg9 : memref<2048xf32, #tpu.memory_space<vmem>>)
      tpu.yield
    }) : () -> ()
    "tpu.region"() ({
      %run_scoped3A = tpu.sem_alloc : memref<!tpu.dma_semaphore, #tpu.memory_space<semaphore_mem>>
      tpu.enqueue_dma source(%arg4 : memref<4096xf32, #tpu.memory_space<hbm>>) target(%arg10 : memref<4096xf32, #tpu.memory_space<vmem>>) target_semaphore(%run_scoped3A : memref<!tpu.dma_semaphore, #tpu.memory_space<semaphore_mem>>)
      tpu.wait_dma2 semaphore(%run_scoped3A : memref<!tpu.dma_semaphore, #tpu.memory_space<semaphore_mem>>) src(%arg4 : memref<4096xf32, #tpu.memory_space<hbm>>) dst(%arg10 : memref<4096xf32, #tpu.memory_space<vmem>>)
      tpu.yield
    }) : () -> ()
    "tpu.region"() ({
      %run_scoped3A = tpu.sem_alloc : memref<!tpu.dma_semaphore, #tpu.memory_space<semaphore_mem>>
      tpu.enqueue_dma source(%arg5 : memref<4096xf32, #tpu.memory_space<hbm>>) target(%arg11 : memref<4096xf32, #tpu.memory_space<vmem>>) target_semaphore(%run_scoped3A : memref<!tpu.dma_semaphore, #tpu.memory_space<semaphore_mem>>)
      tpu.wait_dma2 semaphore(%run_scoped3A : memref<!tpu.dma_semaphore, #tpu.memory_space<semaphore_mem>>) src(%arg5 : memref<4096xf32, #tpu.memory_space<hbm>>) dst(%arg11 : memref<4096xf32, #tpu.memory_space<vmem>>)
      tpu.yield
    }) : () -> ()
    "tpu.region"() ({
      %run_scoped3A = tpu.sem_alloc : memref<!tpu.dma_semaphore, #tpu.memory_space<semaphore_mem>>
      tpu.enqueue_dma source(%arg6 : memref<16xf32, #tpu.memory_space<hbm>>) target(%arg12 : memref<16xf32, #tpu.memory_space<vmem>>) target_semaphore(%run_scoped3A : memref<!tpu.dma_semaphore, #tpu.memory_space<semaphore_mem>>)
      tpu.wait_dma2 semaphore(%run_scoped3A : memref<!tpu.dma_semaphore, #tpu.memory_space<semaphore_mem>>) src(%arg6 : memref<16xf32, #tpu.memory_space<hbm>>) dst(%arg12 : memref<16xf32, #tpu.memory_space<vmem>>)
      tpu.yield
    }) : () -> ()
    %iota3A = tpu.iota {dimensions = array<i32: 0>} : vector<16xi32>
    %scan3A = arith.constant 0 : i32
    %scan3A_5 = arith.constant 0 : i32
    %scan3A_6 = arith.constant 8 : i32
    %scan3A_7 = arith.addi %scan3A_5, %scan3A_6 : i32
    %scan3A_8 = arith.constant 1 : i32
    scf.for %scan3A_10 = %scan3A_5 to %scan3A_7 step %scan3A_8  : i32 {
      %broadcast_in_dim3A = arith.constant 0.000000e+00 : f32
      %broadcast_in_dim3A_11 = vector.broadcast %broadcast_in_dim3A : f32 to vector<16xf32>
      %scan3A_12 = arith.constant 0 : i32
      %scan3A_13 = arith.constant 16 : i32
      %scan3A_14 = arith.addi %scan3A_12, %scan3A_13 : i32
      %scan3A_15 = arith.constant 1 : i32
      %scan3A_16 = scf.for %scan3A_23 = %scan3A_12 to %scan3A_14 step %scan3A_15 iter_args(%scan3A_24 = %broadcast_in_dim3A_11) -> (vector<16xf32>)  : i32 {
        %mul3A_25 = arith.constant 16 : i32
        %mul3A_26 = arith.muli %scan3A_10, %mul3A_25 : i32
        %add3A_27 = arith.addi %mul3A_26, %scan3A_23 : i32
        %add3A_28 = arith.addi %mul3A_2, %add3A_27 : i32
        %mul3A_29 = arith.constant 16 : i32
        %mul3A_30 = arith.muli %add3A_27, %mul3A_29 : i32
        %get3A_31 = arith.index_cast %mul3A_30 : i32 to index
        %get3A_32 = tpu.vector_load %arg8[%get3A_31] {strides = array<i32>} : memref<2048xi32, #tpu.memory_space<vmem>>, vector<16xi32>,
        %mul3A_33 = arith.constant 16 : i32
        %mul3A_34 = arith.muli %add3A_27, %mul3A_33 : i32
        %get3A_35 = arith.index_cast %mul3A_34 : i32 to index
        %get3A_36 = tpu.vector_load %arg9[%get3A_35] {strides = array<i32>} : memref<2048xf32, #tpu.memory_space<vmem>>, vector<16xf32>,
        %gather3A = tpu.vector_load_idx %arg10[%get3A_32] : memref<4096xf32, #tpu.memory_space<vmem>>[vector<16xi32>], vector<16xf32>,
        %mul3A_37 = arith.mulf %get3A_36, %gather3A : vector<16xf32>
        %broadcast_in_dim3A_38 = vector.broadcast %add3A_28 : i32 to vector<16xi32>
        %gather3A_39 = tpu.vector_load_idx %arg10[%broadcast_in_dim3A_38] : memref<4096xf32, #tpu.memory_space<vmem>>[vector<16xi32>], vector<16xf32>,
        %mul3A_40 = arith.mulf %mul3A_37, %gather3A_39 : vector<16xf32>
        %gather3A_41 = tpu.vector_load_idx %arg11[%get3A_32] : memref<4096xf32, #tpu.memory_space<vmem>>[vector<16xi32>], vector<16xf32>,
        %mul3A_42 = arith.mulf %mul3A_40, %gather3A_41 : vector<16xf32>
        %reduce_sum3A = arith.constant true
        %reduce_sum3A_43 = vector.broadcast %reduce_sum3A : i1 to vector<16xi1>
        %reduce_sum3A_44 = tpu.scan <sum>, %mul3A_42 masked %reduce_sum3A_43 : vector<16xf32>, vector<16xi1> -> vector<16xf32>
        %reduce_sum3A_45 = vector.extract %reduce_sum3A_44[15] : f32 from vector<16xf32>
        %eq3A = vector.broadcast %scan3A_23 : i32 to vector<16xi32>
        %eq3A_46 = arith.cmpi eq, %iota3A, %eq3A : vector<16xi32>
        %broadcast_in_dim3A_47 = vector.broadcast %reduce_sum3A_45 : f32 to vector<16xf32>
        %select_n3A = arith.select %eq3A_46, %broadcast_in_dim3A_47, %scan3A_24 : vector<16xi1>, vector<16xf32>
        scf.yield %select_n3A : vector<16xf32>
      }
      %scan3A_17 = arith.constant 16 : i32
      %get3A = arith.constant 0 : index
      %get3A_18 = tpu.vector_load %arg12[%get3A] {strides = array<i32>} : memref<16xf32, #tpu.memory_space<vmem>>, vector<16xf32>,
      %add3A_19 = arith.addf %scan3A_16, %get3A_18 : vector<16xf32>
      %mul3A_20 = arith.constant 16 : i32
      %mul3A_21 = arith.muli %scan3A_10, %mul3A_20 : i32
      %swap3A = arith.index_cast %mul3A_21 : i32 to index
      %swap3A_22 = tpu.vector_load %arg13[%swap3A] {strides = array<i32>} : memref<128xf32, #tpu.memory_space<vmem>>, vector<16xf32>,
      tpu.vector_store %arg13[%swap3A], %add3A_19 {strides = array<i32>} : memref<128xf32, #tpu.memory_space<vmem>>, vector<16xf32>,
    }
    %scan3A_9 = arith.constant 8 : i32
    "tpu.region"() ({
      %run_scoped3A = tpu.sem_alloc : memref<!tpu.dma_semaphore, #tpu.memory_space<semaphore_mem>>
      %dma_start3A = tpu.memref_slice %arg7[%mul3A_2] : memref<4096xf32, #tpu.memory_space<hbm>> -> memref<128xf32, #tpu.memory_space<hbm>>
      %dma_start3A_10 = tpu.memref_slice %arg7[%mul3A_2] : memref<4096xf32, #tpu.memory_space<hbm>> -> memref<128xf32, #tpu.memory_space<hbm>>
      tpu.enqueue_dma source(%arg13 : memref<128xf32, #tpu.memory_space<vmem>>) target(%dma_start3A_10 : memref<128xf32, #tpu.memory_space<hbm>>) target_semaphore(%run_scoped3A : memref<!tpu.dma_semaphore, #tpu.memory_space<semaphore_mem>>)
      %dma_wait3A = tpu.memref_slice %arg7[%mul3A_2] : memref<4096xf32, #tpu.memory_space<hbm>> -> memref<128xf32, #tpu.memory_space<hbm>>
      %dma_wait3A_11 = tpu.memref_slice %arg7[%mul3A_2] : memref<4096xf32, #tpu.memory_space<hbm>> -> memref<128xf32, #tpu.memory_space<hbm>>
      tpu.wait_dma2 semaphore(%run_scoped3A : memref<!tpu.dma_semaphore, #tpu.memory_space<semaphore_mem>>) src(%arg13 : memref<128xf32, #tpu.memory_space<vmem>>) dst(%dma_wait3A_11 : memref<128xf32, #tpu.memory_space<hbm>>)
      tpu.yield
    }) : () -> ()
    return
  }
}

module attributes {stable_mosaic.version = 14 : i64} {
  func.func @_knn_body(%arg0: i32, %arg1: memref<256x256xf32, #tpu.memory_space<vmem>>, %arg2: memref<256x1xf32, #tpu.memory_space<vmem>>, %arg3: memref<4096x256xf32, #tpu.memory_space<vmem>>, %arg4: memref<1x4096xf32, #tpu.memory_space<vmem>>, %arg5: memref<256x16xi32, #tpu.memory_space<vmem>>, %arg6: memref<256x16xf32, #tpu.memory_space<vmem>>, %arg7: memref<256x1xf32, #tpu.memory_space<vmem>>, %arg8: memref<256x4096xf32, #tpu.memory_space<vmem>>) attributes {dimension_semantics = [#tpu.dimension_semantics<arbitrary>], iteration_bounds = array<i64: 16>, scalar_prefetch = 0 : i64, scratch_operands = 0 : i64, tpu.core_type = #tpu.core_type<tc>, window_params = [{transform_indices = @transform_0, window_bounds = array<i64: 256, 256>}, {transform_indices = @transform_1, window_bounds = array<i64: 256, 1>}, {pipeline_mode = #tpu.pipeline_mode<synchronous>, transform_indices = @transform_2, window_bounds = array<i64: 4096, 256>}, {pipeline_mode = #tpu.pipeline_mode<synchronous>, transform_indices = @transform_3, window_bounds = array<i64: 1, 4096>}, {transform_indices = @transform_4, window_bounds = array<i64: 256, 16>}, {transform_indices = @transform_5, window_bounds = array<i64: 256, 16>}, {transform_indices = @transform_6, window_bounds = array<i64: 256, 1>}, {transform_indices = @transform_7, window_bounds = array<i64: 256, 4096>}]} {
    %get3A = arith.constant 0 : index
    %get3A_0 = arith.constant 0 : index
    %get3A_1 = vector.load %arg1[%get3A, %get3A_0] : memref<256x256xf32, #tpu.memory_space<vmem>>, vector<256x256xf32>
    %get3A_2 = arith.constant 0 : index
    %get3A_3 = arith.constant 0 : index
    %get3A_4 = vector.load %arg3[%get3A_2, %get3A_3] : memref<4096x256xf32, #tpu.memory_space<vmem>>, vector<4096x256xf32>
    %dot_general3A = arith.constant dense<0.000000e+00> : vector<256x4096xf32>
    %dot_general3A_5 = tpu.matmul %get3A_1, %get3A_4, %dot_general3A {dimension_numbers = #tpu.dot_dimension_numbers<[1], [1], [0], [0], [0, 0, 1, 0], [], []>, transpose_lhs_hint = false} : vector<256x256xf32>, vector<4096x256xf32>, vector<256x4096xf32> -> vector<256x4096xf32>
    %get3A_6 = arith.constant 0 : index
    %get3A_7 = arith.constant 0 : index
    %get3A_8 = vector.load %arg2[%get3A_6, %get3A_7] : memref<256x1xf32, #tpu.memory_space<vmem>>, vector<256x1xf32>
    %get3A_9 = arith.constant 0 : index
    %get3A_10 = arith.constant 0 : index
    %get3A_11 = vector.load %arg4[%get3A_9, %get3A_10] : memref<1x4096xf32, #tpu.memory_space<vmem>>, vector<1x4096xf32>
    %add3A = vector.broadcast %get3A_8 : vector<256x1xf32> to vector<256x4096xf32>
    %add3A_12 = vector.broadcast %get3A_11 : vector<1x4096xf32> to vector<256x4096xf32>
    %add3A_13 = arith.addf %add3A, %add3A_12 : vector<256x4096xf32>
    %mul3A = arith.constant 2.000000e+00 : f32
    %mul3A_14 = vector.broadcast %mul3A : f32 to vector<256x4096xf32>
    %mul3A_15 = arith.mulf %mul3A_14, %dot_general3A_5 : vector<256x4096xf32>
    %sub3A = arith.subf %add3A_13, %mul3A_15 : vector<256x4096xf32>
    %max3A = arith.constant 0.000000e+00 : f32
    %max3A_16 = vector.broadcast %max3A : f32 to vector<256x4096xf32>
    %max3A_17 = arith.maximumf %sub3A, %max3A_16 : vector<256x4096xf32>
    %iota3A = tpu.iota {dimensions = array<i32: 1>} : vector<256x4096xi32>
    %broadcast_in_dim3A = arith.constant 0.000000e+00 : f32
    %broadcast_in_dim3A_18 = vector.broadcast %broadcast_in_dim3A : f32 to vector<256x1xf32>
    %reduce_min3A = arith.constant dense<0x7F800000> : vector<256xf32>
    %reduce_min3A_19 = vector.multi_reduction <minimumf>, %max3A_17, %reduce_min3A [1] : vector<256x4096xf32> to vector<256xf32>
    %broadcast_in_dim3A_20 = vector.shape_cast %reduce_min3A_19 : vector<256xf32> to vector<256x1xf32>
    %eq3A = vector.broadcast %broadcast_in_dim3A_20 : vector<256x1xf32> to vector<256x4096xf32>
    %eq3A_21 = arith.cmpf oeq, %max3A_17, %eq3A : vector<256x4096xf32>
    %jit3A = arith.constant 4096 : i32
    %broadcast_in_dim3A_22 = vector.broadcast %jit3A : i32 to vector<256x4096xi32>
    %select_n3A = arith.select %eq3A_21, %iota3A, %broadcast_in_dim3A_22 : vector<256x4096xi1>, vector<256x4096xi32>
    %reduce_min3A_23 = arith.constant dense<2147483647> : vector<256xi32>
    %reduce_min3A_24 = vector.multi_reduction <minsi>, %select_n3A, %reduce_min3A_23 [1] : vector<256x4096xi32> to vector<256xi32>
    %broadcast_in_dim3A_25 = vector.shape_cast %reduce_min3A_24 : vector<256xi32> to vector<256x1xi32>
    %swap3A = arith.constant 0 : index
    %swap3A_26 = arith.constant 0 : index
    %swap3A_27 = vector.load %arg6[%swap3A, %swap3A_26] : memref<256x16xf32, #tpu.memory_space<vmem>>, vector<256x1xf32>
    tpu.vector_store %arg6[%swap3A, %swap3A_26], %broadcast_in_dim3A_20 {strides = array<i32>} : memref<256x16xf32, #tpu.memory_space<vmem>>, vector<256x1xf32>,
    %swap3A_28 = arith.constant 0 : index
    %swap3A_29 = arith.constant 0 : index
    %swap3A_30 = vector.load %arg5[%swap3A_28, %swap3A_29] : memref<256x16xi32, #tpu.memory_space<vmem>>, vector<256x1xi32>
    tpu.vector_store %arg5[%swap3A_28, %swap3A_29], %broadcast_in_dim3A_25 {strides = array<i32>} : memref<256x16xi32, #tpu.memory_space<vmem>>, vector<256x1xi32>,
    %add3A_31 = arith.addf %broadcast_in_dim3A_18, %broadcast_in_dim3A_20 : vector<256x1xf32>
    %eq3A_32 = vector.broadcast %broadcast_in_dim3A_25 : vector<256x1xi32> to vector<256x4096xi32>
    %eq3A_33 = arith.cmpi eq, %iota3A, %eq3A_32 : vector<256x4096xi32>
    %jit3A_34 = arith.constant 3.000000e+38 : f32
    %broadcast_in_dim3A_35 = vector.broadcast %jit3A_34 : f32 to vector<256x4096xf32>
    %select_n3A_36 = arith.select %eq3A_33, %broadcast_in_dim3A_35, %max3A_17 : vector<256x4096xi1>, vector<256x4096xf32>
    %reduce_min3A_37 = arith.constant dense<0x7F800000> : vector<256xf32>
    %reduce_min3A_38 = vector.multi_reduction <minimumf>, %select_n3A_36, %reduce_min3A_37 [1] : vector<256x4096xf32> to vector<256xf32>
    %broadcast_in_dim3A_39 = vector.shape_cast %reduce_min3A_38 : vector<256xf32> to vector<256x1xf32>
    %eq3A_40 = vector.broadcast %broadcast_in_dim3A_39 : vector<256x1xf32> to vector<256x4096xf32>
    %eq3A_41 = arith.cmpf oeq, %select_n3A_36, %eq3A_40 : vector<256x4096xf32>
    %jit3A_42 = arith.constant 4096 : i32
    %broadcast_in_dim3A_43 = vector.broadcast %jit3A_42 : i32 to vector<256x4096xi32>
    %select_n3A_44 = arith.select %eq3A_41, %iota3A, %broadcast_in_dim3A_43 : vector<256x4096xi1>, vector<256x4096xi32>
    %reduce_min3A_45 = arith.constant dense<2147483647> : vector<256xi32>
    %reduce_min3A_46 = vector.multi_reduction <minsi>, %select_n3A_44, %reduce_min3A_45 [1] : vector<256x4096xi32> to vector<256xi32>
    %broadcast_in_dim3A_47 = vector.shape_cast %reduce_min3A_46 : vector<256xi32> to vector<256x1xi32>
    %swap3A_48 = arith.constant 0 : index
    %swap3A_49 = arith.constant 1 : index
    %swap3A_50 = vector.load %arg6[%swap3A_48, %swap3A_49] : memref<256x16xf32, #tpu.memory_space<vmem>>, vector<256x1xf32>
    tpu.vector_store %arg6[%swap3A_48, %swap3A_49], %broadcast_in_dim3A_39 {strides = array<i32>} : memref<256x16xf32, #tpu.memory_space<vmem>>, vector<256x1xf32>,
    %swap3A_51 = arith.constant 0 : index
    %swap3A_52 = arith.constant 1 : index
    %swap3A_53 = vector.load %arg5[%swap3A_51, %swap3A_52] : memref<256x16xi32, #tpu.memory_space<vmem>>, vector<256x1xi32>
    tpu.vector_store %arg5[%swap3A_51, %swap3A_52], %broadcast_in_dim3A_47 {strides = array<i32>} : memref<256x16xi32, #tpu.memory_space<vmem>>, vector<256x1xi32>,
    %add3A_54 = arith.addf %add3A_31, %broadcast_in_dim3A_39 : vector<256x1xf32>
    %eq3A_55 = vector.broadcast %broadcast_in_dim3A_47 : vector<256x1xi32> to vector<256x4096xi32>
    %eq3A_56 = arith.cmpi eq, %iota3A, %eq3A_55 : vector<256x4096xi32>
    %jit3A_57 = arith.constant 3.000000e+38 : f32
    %broadcast_in_dim3A_58 = vector.broadcast %jit3A_57 : f32 to vector<256x4096xf32>
    %select_n3A_59 = arith.select %eq3A_56, %broadcast_in_dim3A_58, %select_n3A_36 : vector<256x4096xi1>, vector<256x4096xf32>
    %reduce_min3A_60 = arith.constant dense<0x7F800000> : vector<256xf32>
    %reduce_min3A_61 = vector.multi_reduction <minimumf>, %select_n3A_59, %reduce_min3A_60 [1] : vector<256x4096xf32> to vector<256xf32>
    %broadcast_in_dim3A_62 = vector.shape_cast %reduce_min3A_61 : vector<256xf32> to vector<256x1xf32>
    %eq3A_63 = vector.broadcast %broadcast_in_dim3A_62 : vector<256x1xf32> to vector<256x4096xf32>
    %eq3A_64 = arith.cmpf oeq, %select_n3A_59, %eq3A_63 : vector<256x4096xf32>
    %jit3A_65 = arith.constant 4096 : i32
    %broadcast_in_dim3A_66 = vector.broadcast %jit3A_65 : i32 to vector<256x4096xi32>
    %select_n3A_67 = arith.select %eq3A_64, %iota3A, %broadcast_in_dim3A_66 : vector<256x4096xi1>, vector<256x4096xi32>
    %reduce_min3A_68 = arith.constant dense<2147483647> : vector<256xi32>
    %reduce_min3A_69 = vector.multi_reduction <minsi>, %select_n3A_67, %reduce_min3A_68 [1] : vector<256x4096xi32> to vector<256xi32>
    %broadcast_in_dim3A_70 = vector.shape_cast %reduce_min3A_69 : vector<256xi32> to vector<256x1xi32>
    %swap3A_71 = arith.constant 0 : index
    %swap3A_72 = arith.constant 2 : index
    %swap3A_73 = vector.load %arg6[%swap3A_71, %swap3A_72] : memref<256x16xf32, #tpu.memory_space<vmem>>, vector<256x1xf32>
    tpu.vector_store %arg6[%swap3A_71, %swap3A_72], %broadcast_in_dim3A_62 {strides = array<i32>} : memref<256x16xf32, #tpu.memory_space<vmem>>, vector<256x1xf32>,
    %swap3A_74 = arith.constant 0 : index
    %swap3A_75 = arith.constant 2 : index
    %swap3A_76 = vector.load %arg5[%swap3A_74, %swap3A_75] : memref<256x16xi32, #tpu.memory_space<vmem>>, vector<256x1xi32>
    tpu.vector_store %arg5[%swap3A_74, %swap3A_75], %broadcast_in_dim3A_70 {strides = array<i32>} : memref<256x16xi32, #tpu.memory_space<vmem>>, vector<256x1xi32>,
    %add3A_77 = arith.addf %add3A_54, %broadcast_in_dim3A_62 : vector<256x1xf32>
    %eq3A_78 = vector.broadcast %broadcast_in_dim3A_70 : vector<256x1xi32> to vector<256x4096xi32>
    %eq3A_79 = arith.cmpi eq, %iota3A, %eq3A_78 : vector<256x4096xi32>
    %jit3A_80 = arith.constant 3.000000e+38 : f32
    %broadcast_in_dim3A_81 = vector.broadcast %jit3A_80 : f32 to vector<256x4096xf32>
    %select_n3A_82 = arith.select %eq3A_79, %broadcast_in_dim3A_81, %select_n3A_59 : vector<256x4096xi1>, vector<256x4096xf32>
    %reduce_min3A_83 = arith.constant dense<0x7F800000> : vector<256xf32>
    %reduce_min3A_84 = vector.multi_reduction <minimumf>, %select_n3A_82, %reduce_min3A_83 [1] : vector<256x4096xf32> to vector<256xf32>
    %broadcast_in_dim3A_85 = vector.shape_cast %reduce_min3A_84 : vector<256xf32> to vector<256x1xf32>
    %eq3A_86 = vector.broadcast %broadcast_in_dim3A_85 : vector<256x1xf32> to vector<256x4096xf32>
    %eq3A_87 = arith.cmpf oeq, %select_n3A_82, %eq3A_86 : vector<256x4096xf32>
    %jit3A_88 = arith.constant 4096 : i32
    %broadcast_in_dim3A_89 = vector.broadcast %jit3A_88 : i32 to vector<256x4096xi32>
    %select_n3A_90 = arith.select %eq3A_87, %iota3A, %broadcast_in_dim3A_89 : vector<256x4096xi1>, vector<256x4096xi32>
    %reduce_min3A_91 = arith.constant dense<2147483647> : vector<256xi32>
    %reduce_min3A_92 = vector.multi_reduction <minsi>, %select_n3A_90, %reduce_min3A_91 [1] : vector<256x4096xi32> to vector<256xi32>
    %broadcast_in_dim3A_93 = vector.shape_cast %reduce_min3A_92 : vector<256xi32> to vector<256x1xi32>
    %swap3A_94 = arith.constant 0 : index
    %swap3A_95 = arith.constant 3 : index
    %swap3A_96 = vector.load %arg6[%swap3A_94, %swap3A_95] : memref<256x16xf32, #tpu.memory_space<vmem>>, vector<256x1xf32>
    tpu.vector_store %arg6[%swap3A_94, %swap3A_95], %broadcast_in_dim3A_85 {strides = array<i32>} : memref<256x16xf32, #tpu.memory_space<vmem>>, vector<256x1xf32>,
    %swap3A_97 = arith.constant 0 : index
    %swap3A_98 = arith.constant 3 : index
    %swap3A_99 = vector.load %arg5[%swap3A_97, %swap3A_98] : memref<256x16xi32, #tpu.memory_space<vmem>>, vector<256x1xi32>
    tpu.vector_store %arg5[%swap3A_97, %swap3A_98], %broadcast_in_dim3A_93 {strides = array<i32>} : memref<256x16xi32, #tpu.memory_space<vmem>>, vector<256x1xi32>,
    %add3A_100 = arith.addf %add3A_77, %broadcast_in_dim3A_85 : vector<256x1xf32>
    %eq3A_101 = vector.broadcast %broadcast_in_dim3A_93 : vector<256x1xi32> to vector<256x4096xi32>
    %eq3A_102 = arith.cmpi eq, %iota3A, %eq3A_101 : vector<256x4096xi32>
    %jit3A_103 = arith.constant 3.000000e+38 : f32
    %broadcast_in_dim3A_104 = vector.broadcast %jit3A_103 : f32 to vector<256x4096xf32>
    %select_n3A_105 = arith.select %eq3A_102, %broadcast_in_dim3A_104, %select_n3A_82 : vector<256x4096xi1>, vector<256x4096xf32>
    %reduce_min3A_106 = arith.constant dense<0x7F800000> : vector<256xf32>
    %reduce_min3A_107 = vector.multi_reduction <minimumf>, %select_n3A_105, %reduce_min3A_106 [1] : vector<256x4096xf32> to vector<256xf32>
    %broadcast_in_dim3A_108 = vector.shape_cast %reduce_min3A_107 : vector<256xf32> to vector<256x1xf32>
    %eq3A_109 = vector.broadcast %broadcast_in_dim3A_108 : vector<256x1xf32> to vector<256x4096xf32>
    %eq3A_110 = arith.cmpf oeq, %select_n3A_105, %eq3A_109 : vector<256x4096xf32>
    %jit3A_111 = arith.constant 4096 : i32
    %broadcast_in_dim3A_112 = vector.broadcast %jit3A_111 : i32 to vector<256x4096xi32>
    %select_n3A_113 = arith.select %eq3A_110, %iota3A, %broadcast_in_dim3A_112 : vector<256x4096xi1>, vector<256x4096xi32>
    %reduce_min3A_114 = arith.constant dense<2147483647> : vector<256xi32>
    %reduce_min3A_115 = vector.multi_reduction <minsi>, %select_n3A_113, %reduce_min3A_114 [1] : vector<256x4096xi32> to vector<256xi32>
    %broadcast_in_dim3A_116 = vector.shape_cast %reduce_min3A_115 : vector<256xi32> to vector<256x1xi32>
    %swap3A_117 = arith.constant 0 : index
    %swap3A_118 = arith.constant 4 : index
    %swap3A_119 = vector.load %arg6[%swap3A_117, %swap3A_118] : memref<256x16xf32, #tpu.memory_space<vmem>>, vector<256x1xf32>
    tpu.vector_store %arg6[%swap3A_117, %swap3A_118], %broadcast_in_dim3A_108 {strides = array<i32>} : memref<256x16xf32, #tpu.memory_space<vmem>>, vector<256x1xf32>,
    %swap3A_120 = arith.constant 0 : index
    %swap3A_121 = arith.constant 4 : index
    %swap3A_122 = vector.load %arg5[%swap3A_120, %swap3A_121] : memref<256x16xi32, #tpu.memory_space<vmem>>, vector<256x1xi32>
    tpu.vector_store %arg5[%swap3A_120, %swap3A_121], %broadcast_in_dim3A_116 {strides = array<i32>} : memref<256x16xi32, #tpu.memory_space<vmem>>, vector<256x1xi32>,
    %add3A_123 = arith.addf %add3A_100, %broadcast_in_dim3A_108 : vector<256x1xf32>
    %eq3A_124 = vector.broadcast %broadcast_in_dim3A_116 : vector<256x1xi32> to vector<256x4096xi32>
    %eq3A_125 = arith.cmpi eq, %iota3A, %eq3A_124 : vector<256x4096xi32>
    %jit3A_126 = arith.constant 3.000000e+38 : f32
    %broadcast_in_dim3A_127 = vector.broadcast %jit3A_126 : f32 to vector<256x4096xf32>
    %select_n3A_128 = arith.select %eq3A_125, %broadcast_in_dim3A_127, %select_n3A_105 : vector<256x4096xi1>, vector<256x4096xf32>
    %reduce_min3A_129 = arith.constant dense<0x7F800000> : vector<256xf32>
    %reduce_min3A_130 = vector.multi_reduction <minimumf>, %select_n3A_128, %reduce_min3A_129 [1] : vector<256x4096xf32> to vector<256xf32>
    %broadcast_in_dim3A_131 = vector.shape_cast %reduce_min3A_130 : vector<256xf32> to vector<256x1xf32>
    %eq3A_132 = vector.broadcast %broadcast_in_dim3A_131 : vector<256x1xf32> to vector<256x4096xf32>
    %eq3A_133 = arith.cmpf oeq, %select_n3A_128, %eq3A_132 : vector<256x4096xf32>
    %jit3A_134 = arith.constant 4096 : i32
    %broadcast_in_dim3A_135 = vector.broadcast %jit3A_134 : i32 to vector<256x4096xi32>
    %select_n3A_136 = arith.select %eq3A_133, %iota3A, %broadcast_in_dim3A_135 : vector<256x4096xi1>, vector<256x4096xi32>
    %reduce_min3A_137 = arith.constant dense<2147483647> : vector<256xi32>
    %reduce_min3A_138 = vector.multi_reduction <minsi>, %select_n3A_136, %reduce_min3A_137 [1] : vector<256x4096xi32> to vector<256xi32>
    %broadcast_in_dim3A_139 = vector.shape_cast %reduce_min3A_138 : vector<256xi32> to vector<256x1xi32>
    %swap3A_140 = arith.constant 0 : index
    %swap3A_141 = arith.constant 5 : index
    %swap3A_142 = vector.load %arg6[%swap3A_140, %swap3A_141] : memref<256x16xf32, #tpu.memory_space<vmem>>, vector<256x1xf32>
    tpu.vector_store %arg6[%swap3A_140, %swap3A_141], %broadcast_in_dim3A_131 {strides = array<i32>} : memref<256x16xf32, #tpu.memory_space<vmem>>, vector<256x1xf32>,
    %swap3A_143 = arith.constant 0 : index
    %swap3A_144 = arith.constant 5 : index
    %swap3A_145 = vector.load %arg5[%swap3A_143, %swap3A_144] : memref<256x16xi32, #tpu.memory_space<vmem>>, vector<256x1xi32>
    tpu.vector_store %arg5[%swap3A_143, %swap3A_144], %broadcast_in_dim3A_139 {strides = array<i32>} : memref<256x16xi32, #tpu.memory_space<vmem>>, vector<256x1xi32>,
    %add3A_146 = arith.addf %add3A_123, %broadcast_in_dim3A_131 : vector<256x1xf32>
    %eq3A_147 = vector.broadcast %broadcast_in_dim3A_139 : vector<256x1xi32> to vector<256x4096xi32>
    %eq3A_148 = arith.cmpi eq, %iota3A, %eq3A_147 : vector<256x4096xi32>
    %jit3A_149 = arith.constant 3.000000e+38 : f32
    %broadcast_in_dim3A_150 = vector.broadcast %jit3A_149 : f32 to vector<256x4096xf32>
    %select_n3A_151 = arith.select %eq3A_148, %broadcast_in_dim3A_150, %select_n3A_128 : vector<256x4096xi1>, vector<256x4096xf32>
    %reduce_min3A_152 = arith.constant dense<0x7F800000> : vector<256xf32>
    %reduce_min3A_153 = vector.multi_reduction <minimumf>, %select_n3A_151, %reduce_min3A_152 [1] : vector<256x4096xf32> to vector<256xf32>
    %broadcast_in_dim3A_154 = vector.shape_cast %reduce_min3A_153 : vector<256xf32> to vector<256x1xf32>
    %eq3A_155 = vector.broadcast %broadcast_in_dim3A_154 : vector<256x1xf32> to vector<256x4096xf32>
    %eq3A_156 = arith.cmpf oeq, %select_n3A_151, %eq3A_155 : vector<256x4096xf32>
    %jit3A_157 = arith.constant 4096 : i32
    %broadcast_in_dim3A_158 = vector.broadcast %jit3A_157 : i32 to vector<256x4096xi32>
    %select_n3A_159 = arith.select %eq3A_156, %iota3A, %broadcast_in_dim3A_158 : vector<256x4096xi1>, vector<256x4096xi32>
    %reduce_min3A_160 = arith.constant dense<2147483647> : vector<256xi32>
    %reduce_min3A_161 = vector.multi_reduction <minsi>, %select_n3A_159, %reduce_min3A_160 [1] : vector<256x4096xi32> to vector<256xi32>
    %broadcast_in_dim3A_162 = vector.shape_cast %reduce_min3A_161 : vector<256xi32> to vector<256x1xi32>
    %swap3A_163 = arith.constant 0 : index
    %swap3A_164 = arith.constant 6 : index
    %swap3A_165 = vector.load %arg6[%swap3A_163, %swap3A_164] : memref<256x16xf32, #tpu.memory_space<vmem>>, vector<256x1xf32>
    tpu.vector_store %arg6[%swap3A_163, %swap3A_164], %broadcast_in_dim3A_154 {strides = array<i32>} : memref<256x16xf32, #tpu.memory_space<vmem>>, vector<256x1xf32>,
    %swap3A_166 = arith.constant 0 : index
    %swap3A_167 = arith.constant 6 : index
    %swap3A_168 = vector.load %arg5[%swap3A_166, %swap3A_167] : memref<256x16xi32, #tpu.memory_space<vmem>>, vector<256x1xi32>
    tpu.vector_store %arg5[%swap3A_166, %swap3A_167], %broadcast_in_dim3A_162 {strides = array<i32>} : memref<256x16xi32, #tpu.memory_space<vmem>>, vector<256x1xi32>,
    %add3A_169 = arith.addf %add3A_146, %broadcast_in_dim3A_154 : vector<256x1xf32>
    %eq3A_170 = vector.broadcast %broadcast_in_dim3A_162 : vector<256x1xi32> to vector<256x4096xi32>
    %eq3A_171 = arith.cmpi eq, %iota3A, %eq3A_170 : vector<256x4096xi32>
    %jit3A_172 = arith.constant 3.000000e+38 : f32
    %broadcast_in_dim3A_173 = vector.broadcast %jit3A_172 : f32 to vector<256x4096xf32>
    %select_n3A_174 = arith.select %eq3A_171, %broadcast_in_dim3A_173, %select_n3A_151 : vector<256x4096xi1>, vector<256x4096xf32>
    %reduce_min3A_175 = arith.constant dense<0x7F800000> : vector<256xf32>
    %reduce_min3A_176 = vector.multi_reduction <minimumf>, %select_n3A_174, %reduce_min3A_175 [1] : vector<256x4096xf32> to vector<256xf32>
    %broadcast_in_dim3A_177 = vector.shape_cast %reduce_min3A_176 : vector<256xf32> to vector<256x1xf32>
    %eq3A_178 = vector.broadcast %broadcast_in_dim3A_177 : vector<256x1xf32> to vector<256x4096xf32>
    %eq3A_179 = arith.cmpf oeq, %select_n3A_174, %eq3A_178 : vector<256x4096xf32>
    %jit3A_180 = arith.constant 4096 : i32
    %broadcast_in_dim3A_181 = vector.broadcast %jit3A_180 : i32 to vector<256x4096xi32>
    %select_n3A_182 = arith.select %eq3A_179, %iota3A, %broadcast_in_dim3A_181 : vector<256x4096xi1>, vector<256x4096xi32>
    %reduce_min3A_183 = arith.constant dense<2147483647> : vector<256xi32>
    %reduce_min3A_184 = vector.multi_reduction <minsi>, %select_n3A_182, %reduce_min3A_183 [1] : vector<256x4096xi32> to vector<256xi32>
    %broadcast_in_dim3A_185 = vector.shape_cast %reduce_min3A_184 : vector<256xi32> to vector<256x1xi32>
    %swap3A_186 = arith.constant 0 : index
    %swap3A_187 = arith.constant 7 : index
    %swap3A_188 = vector.load %arg6[%swap3A_186, %swap3A_187] : memref<256x16xf32, #tpu.memory_space<vmem>>, vector<256x1xf32>
    tpu.vector_store %arg6[%swap3A_186, %swap3A_187], %broadcast_in_dim3A_177 {strides = array<i32>} : memref<256x16xf32, #tpu.memory_space<vmem>>, vector<256x1xf32>,
    %swap3A_189 = arith.constant 0 : index
    %swap3A_190 = arith.constant 7 : index
    %swap3A_191 = vector.load %arg5[%swap3A_189, %swap3A_190] : memref<256x16xi32, #tpu.memory_space<vmem>>, vector<256x1xi32>
    tpu.vector_store %arg5[%swap3A_189, %swap3A_190], %broadcast_in_dim3A_185 {strides = array<i32>} : memref<256x16xi32, #tpu.memory_space<vmem>>, vector<256x1xi32>,
    %add3A_192 = arith.addf %add3A_169, %broadcast_in_dim3A_177 : vector<256x1xf32>
    %eq3A_193 = vector.broadcast %broadcast_in_dim3A_185 : vector<256x1xi32> to vector<256x4096xi32>
    %eq3A_194 = arith.cmpi eq, %iota3A, %eq3A_193 : vector<256x4096xi32>
    %jit3A_195 = arith.constant 3.000000e+38 : f32
    %broadcast_in_dim3A_196 = vector.broadcast %jit3A_195 : f32 to vector<256x4096xf32>
    %select_n3A_197 = arith.select %eq3A_194, %broadcast_in_dim3A_196, %select_n3A_174 : vector<256x4096xi1>, vector<256x4096xf32>
    %reduce_min3A_198 = arith.constant dense<0x7F800000> : vector<256xf32>
    %reduce_min3A_199 = vector.multi_reduction <minimumf>, %select_n3A_197, %reduce_min3A_198 [1] : vector<256x4096xf32> to vector<256xf32>
    %broadcast_in_dim3A_200 = vector.shape_cast %reduce_min3A_199 : vector<256xf32> to vector<256x1xf32>
    %eq3A_201 = vector.broadcast %broadcast_in_dim3A_200 : vector<256x1xf32> to vector<256x4096xf32>
    %eq3A_202 = arith.cmpf oeq, %select_n3A_197, %eq3A_201 : vector<256x4096xf32>
    %jit3A_203 = arith.constant 4096 : i32
    %broadcast_in_dim3A_204 = vector.broadcast %jit3A_203 : i32 to vector<256x4096xi32>
    %select_n3A_205 = arith.select %eq3A_202, %iota3A, %broadcast_in_dim3A_204 : vector<256x4096xi1>, vector<256x4096xi32>
    %reduce_min3A_206 = arith.constant dense<2147483647> : vector<256xi32>
    %reduce_min3A_207 = vector.multi_reduction <minsi>, %select_n3A_205, %reduce_min3A_206 [1] : vector<256x4096xi32> to vector<256xi32>
    %broadcast_in_dim3A_208 = vector.shape_cast %reduce_min3A_207 : vector<256xi32> to vector<256x1xi32>
    %swap3A_209 = arith.constant 0 : index
    %swap3A_210 = arith.constant 8 : index
    %swap3A_211 = vector.load %arg6[%swap3A_209, %swap3A_210] : memref<256x16xf32, #tpu.memory_space<vmem>>, vector<256x1xf32>
    tpu.vector_store %arg6[%swap3A_209, %swap3A_210], %broadcast_in_dim3A_200 {strides = array<i32>} : memref<256x16xf32, #tpu.memory_space<vmem>>, vector<256x1xf32>,
    %swap3A_212 = arith.constant 0 : index
    %swap3A_213 = arith.constant 8 : index
    %swap3A_214 = vector.load %arg5[%swap3A_212, %swap3A_213] : memref<256x16xi32, #tpu.memory_space<vmem>>, vector<256x1xi32>
    tpu.vector_store %arg5[%swap3A_212, %swap3A_213], %broadcast_in_dim3A_208 {strides = array<i32>} : memref<256x16xi32, #tpu.memory_space<vmem>>, vector<256x1xi32>,
    %add3A_215 = arith.addf %add3A_192, %broadcast_in_dim3A_200 : vector<256x1xf32>
    %eq3A_216 = vector.broadcast %broadcast_in_dim3A_208 : vector<256x1xi32> to vector<256x4096xi32>
    %eq3A_217 = arith.cmpi eq, %iota3A, %eq3A_216 : vector<256x4096xi32>
    %jit3A_218 = arith.constant 3.000000e+38 : f32
    %broadcast_in_dim3A_219 = vector.broadcast %jit3A_218 : f32 to vector<256x4096xf32>
    %select_n3A_220 = arith.select %eq3A_217, %broadcast_in_dim3A_219, %select_n3A_197 : vector<256x4096xi1>, vector<256x4096xf32>
    %reduce_min3A_221 = arith.constant dense<0x7F800000> : vector<256xf32>
    %reduce_min3A_222 = vector.multi_reduction <minimumf>, %select_n3A_220, %reduce_min3A_221 [1] : vector<256x4096xf32> to vector<256xf32>
    %broadcast_in_dim3A_223 = vector.shape_cast %reduce_min3A_222 : vector<256xf32> to vector<256x1xf32>
    %eq3A_224 = vector.broadcast %broadcast_in_dim3A_223 : vector<256x1xf32> to vector<256x4096xf32>
    %eq3A_225 = arith.cmpf oeq, %select_n3A_220, %eq3A_224 : vector<256x4096xf32>
    %jit3A_226 = arith.constant 4096 : i32
    %broadcast_in_dim3A_227 = vector.broadcast %jit3A_226 : i32 to vector<256x4096xi32>
    %select_n3A_228 = arith.select %eq3A_225, %iota3A, %broadcast_in_dim3A_227 : vector<256x4096xi1>, vector<256x4096xi32>
    %reduce_min3A_229 = arith.constant dense<2147483647> : vector<256xi32>
    %reduce_min3A_230 = vector.multi_reduction <minsi>, %select_n3A_228, %reduce_min3A_229 [1] : vector<256x4096xi32> to vector<256xi32>
    %broadcast_in_dim3A_231 = vector.shape_cast %reduce_min3A_230 : vector<256xi32> to vector<256x1xi32>
    %swap3A_232 = arith.constant 0 : index
    %swap3A_233 = arith.constant 9 : index
    %swap3A_234 = vector.load %arg6[%swap3A_232, %swap3A_233] : memref<256x16xf32, #tpu.memory_space<vmem>>, vector<256x1xf32>
    tpu.vector_store %arg6[%swap3A_232, %swap3A_233], %broadcast_in_dim3A_223 {strides = array<i32>} : memref<256x16xf32, #tpu.memory_space<vmem>>, vector<256x1xf32>,
    %swap3A_235 = arith.constant 0 : index
    %swap3A_236 = arith.constant 9 : index
    %swap3A_237 = vector.load %arg5[%swap3A_235, %swap3A_236] : memref<256x16xi32, #tpu.memory_space<vmem>>, vector<256x1xi32>
    tpu.vector_store %arg5[%swap3A_235, %swap3A_236], %broadcast_in_dim3A_231 {strides = array<i32>} : memref<256x16xi32, #tpu.memory_space<vmem>>, vector<256x1xi32>,
    %add3A_238 = arith.addf %add3A_215, %broadcast_in_dim3A_223 : vector<256x1xf32>
    %eq3A_239 = vector.broadcast %broadcast_in_dim3A_231 : vector<256x1xi32> to vector<256x4096xi32>
    %eq3A_240 = arith.cmpi eq, %iota3A, %eq3A_239 : vector<256x4096xi32>
    %jit3A_241 = arith.constant 3.000000e+38 : f32
    %broadcast_in_dim3A_242 = vector.broadcast %jit3A_241 : f32 to vector<256x4096xf32>
    %select_n3A_243 = arith.select %eq3A_240, %broadcast_in_dim3A_242, %select_n3A_220 : vector<256x4096xi1>, vector<256x4096xf32>
    %reduce_min3A_244 = arith.constant dense<0x7F800000> : vector<256xf32>
    %reduce_min3A_245 = vector.multi_reduction <minimumf>, %select_n3A_243, %reduce_min3A_244 [1] : vector<256x4096xf32> to vector<256xf32>
    %broadcast_in_dim3A_246 = vector.shape_cast %reduce_min3A_245 : vector<256xf32> to vector<256x1xf32>
    %eq3A_247 = vector.broadcast %broadcast_in_dim3A_246 : vector<256x1xf32> to vector<256x4096xf32>
    %eq3A_248 = arith.cmpf oeq, %select_n3A_243, %eq3A_247 : vector<256x4096xf32>
    %jit3A_249 = arith.constant 4096 : i32
    %broadcast_in_dim3A_250 = vector.broadcast %jit3A_249 : i32 to vector<256x4096xi32>
    %select_n3A_251 = arith.select %eq3A_248, %iota3A, %broadcast_in_dim3A_250 : vector<256x4096xi1>, vector<256x4096xi32>
    %reduce_min3A_252 = arith.constant dense<2147483647> : vector<256xi32>
    %reduce_min3A_253 = vector.multi_reduction <minsi>, %select_n3A_251, %reduce_min3A_252 [1] : vector<256x4096xi32> to vector<256xi32>
    %broadcast_in_dim3A_254 = vector.shape_cast %reduce_min3A_253 : vector<256xi32> to vector<256x1xi32>
    %swap3A_255 = arith.constant 0 : index
    %swap3A_256 = arith.constant 10 : index
    %swap3A_257 = vector.load %arg6[%swap3A_255, %swap3A_256] : memref<256x16xf32, #tpu.memory_space<vmem>>, vector<256x1xf32>
    tpu.vector_store %arg6[%swap3A_255, %swap3A_256], %broadcast_in_dim3A_246 {strides = array<i32>} : memref<256x16xf32, #tpu.memory_space<vmem>>, vector<256x1xf32>,
    %swap3A_258 = arith.constant 0 : index
    %swap3A_259 = arith.constant 10 : index
    %swap3A_260 = vector.load %arg5[%swap3A_258, %swap3A_259] : memref<256x16xi32, #tpu.memory_space<vmem>>, vector<256x1xi32>
    tpu.vector_store %arg5[%swap3A_258, %swap3A_259], %broadcast_in_dim3A_254 {strides = array<i32>} : memref<256x16xi32, #tpu.memory_space<vmem>>, vector<256x1xi32>,
    %add3A_261 = arith.addf %add3A_238, %broadcast_in_dim3A_246 : vector<256x1xf32>
    %eq3A_262 = vector.broadcast %broadcast_in_dim3A_254 : vector<256x1xi32> to vector<256x4096xi32>
    %eq3A_263 = arith.cmpi eq, %iota3A, %eq3A_262 : vector<256x4096xi32>
    %jit3A_264 = arith.constant 3.000000e+38 : f32
    %broadcast_in_dim3A_265 = vector.broadcast %jit3A_264 : f32 to vector<256x4096xf32>
    %select_n3A_266 = arith.select %eq3A_263, %broadcast_in_dim3A_265, %select_n3A_243 : vector<256x4096xi1>, vector<256x4096xf32>
    %reduce_min3A_267 = arith.constant dense<0x7F800000> : vector<256xf32>
    %reduce_min3A_268 = vector.multi_reduction <minimumf>, %select_n3A_266, %reduce_min3A_267 [1] : vector<256x4096xf32> to vector<256xf32>
    %broadcast_in_dim3A_269 = vector.shape_cast %reduce_min3A_268 : vector<256xf32> to vector<256x1xf32>
    %eq3A_270 = vector.broadcast %broadcast_in_dim3A_269 : vector<256x1xf32> to vector<256x4096xf32>
    %eq3A_271 = arith.cmpf oeq, %select_n3A_266, %eq3A_270 : vector<256x4096xf32>
    %jit3A_272 = arith.constant 4096 : i32
    %broadcast_in_dim3A_273 = vector.broadcast %jit3A_272 : i32 to vector<256x4096xi32>
    %select_n3A_274 = arith.select %eq3A_271, %iota3A, %broadcast_in_dim3A_273 : vector<256x4096xi1>, vector<256x4096xi32>
    %reduce_min3A_275 = arith.constant dense<2147483647> : vector<256xi32>
    %reduce_min3A_276 = vector.multi_reduction <minsi>, %select_n3A_274, %reduce_min3A_275 [1] : vector<256x4096xi32> to vector<256xi32>
    %broadcast_in_dim3A_277 = vector.shape_cast %reduce_min3A_276 : vector<256xi32> to vector<256x1xi32>
    %swap3A_278 = arith.constant 0 : index
    %swap3A_279 = arith.constant 11 : index
    %swap3A_280 = vector.load %arg6[%swap3A_278, %swap3A_279] : memref<256x16xf32, #tpu.memory_space<vmem>>, vector<256x1xf32>
    tpu.vector_store %arg6[%swap3A_278, %swap3A_279], %broadcast_in_dim3A_269 {strides = array<i32>} : memref<256x16xf32, #tpu.memory_space<vmem>>, vector<256x1xf32>,
    %swap3A_281 = arith.constant 0 : index
    %swap3A_282 = arith.constant 11 : index
    %swap3A_283 = vector.load %arg5[%swap3A_281, %swap3A_282] : memref<256x16xi32, #tpu.memory_space<vmem>>, vector<256x1xi32>
    tpu.vector_store %arg5[%swap3A_281, %swap3A_282], %broadcast_in_dim3A_277 {strides = array<i32>} : memref<256x16xi32, #tpu.memory_space<vmem>>, vector<256x1xi32>,
    %add3A_284 = arith.addf %add3A_261, %broadcast_in_dim3A_269 : vector<256x1xf32>
    %eq3A_285 = vector.broadcast %broadcast_in_dim3A_277 : vector<256x1xi32> to vector<256x4096xi32>
    %eq3A_286 = arith.cmpi eq, %iota3A, %eq3A_285 : vector<256x4096xi32>
    %jit3A_287 = arith.constant 3.000000e+38 : f32
    %broadcast_in_dim3A_288 = vector.broadcast %jit3A_287 : f32 to vector<256x4096xf32>
    %select_n3A_289 = arith.select %eq3A_286, %broadcast_in_dim3A_288, %select_n3A_266 : vector<256x4096xi1>, vector<256x4096xf32>
    %reduce_min3A_290 = arith.constant dense<0x7F800000> : vector<256xf32>
    %reduce_min3A_291 = vector.multi_reduction <minimumf>, %select_n3A_289, %reduce_min3A_290 [1] : vector<256x4096xf32> to vector<256xf32>
    %broadcast_in_dim3A_292 = vector.shape_cast %reduce_min3A_291 : vector<256xf32> to vector<256x1xf32>
    %eq3A_293 = vector.broadcast %broadcast_in_dim3A_292 : vector<256x1xf32> to vector<256x4096xf32>
    %eq3A_294 = arith.cmpf oeq, %select_n3A_289, %eq3A_293 : vector<256x4096xf32>
    %jit3A_295 = arith.constant 4096 : i32
    %broadcast_in_dim3A_296 = vector.broadcast %jit3A_295 : i32 to vector<256x4096xi32>
    %select_n3A_297 = arith.select %eq3A_294, %iota3A, %broadcast_in_dim3A_296 : vector<256x4096xi1>, vector<256x4096xi32>
    %reduce_min3A_298 = arith.constant dense<2147483647> : vector<256xi32>
    %reduce_min3A_299 = vector.multi_reduction <minsi>, %select_n3A_297, %reduce_min3A_298 [1] : vector<256x4096xi32> to vector<256xi32>
    %broadcast_in_dim3A_300 = vector.shape_cast %reduce_min3A_299 : vector<256xi32> to vector<256x1xi32>
    %swap3A_301 = arith.constant 0 : index
    %swap3A_302 = arith.constant 12 : index
    %swap3A_303 = vector.load %arg6[%swap3A_301, %swap3A_302] : memref<256x16xf32, #tpu.memory_space<vmem>>, vector<256x1xf32>
    tpu.vector_store %arg6[%swap3A_301, %swap3A_302], %broadcast_in_dim3A_292 {strides = array<i32>} : memref<256x16xf32, #tpu.memory_space<vmem>>, vector<256x1xf32>,
    %swap3A_304 = arith.constant 0 : index
    %swap3A_305 = arith.constant 12 : index
    %swap3A_306 = vector.load %arg5[%swap3A_304, %swap3A_305] : memref<256x16xi32, #tpu.memory_space<vmem>>, vector<256x1xi32>
    tpu.vector_store %arg5[%swap3A_304, %swap3A_305], %broadcast_in_dim3A_300 {strides = array<i32>} : memref<256x16xi32, #tpu.memory_space<vmem>>, vector<256x1xi32>,
    %add3A_307 = arith.addf %add3A_284, %broadcast_in_dim3A_292 : vector<256x1xf32>
    %eq3A_308 = vector.broadcast %broadcast_in_dim3A_300 : vector<256x1xi32> to vector<256x4096xi32>
    %eq3A_309 = arith.cmpi eq, %iota3A, %eq3A_308 : vector<256x4096xi32>
    %jit3A_310 = arith.constant 3.000000e+38 : f32
    %broadcast_in_dim3A_311 = vector.broadcast %jit3A_310 : f32 to vector<256x4096xf32>
    %select_n3A_312 = arith.select %eq3A_309, %broadcast_in_dim3A_311, %select_n3A_289 : vector<256x4096xi1>, vector<256x4096xf32>
    %reduce_min3A_313 = arith.constant dense<0x7F800000> : vector<256xf32>
    %reduce_min3A_314 = vector.multi_reduction <minimumf>, %select_n3A_312, %reduce_min3A_313 [1] : vector<256x4096xf32> to vector<256xf32>
    %broadcast_in_dim3A_315 = vector.shape_cast %reduce_min3A_314 : vector<256xf32> to vector<256x1xf32>
    %eq3A_316 = vector.broadcast %broadcast_in_dim3A_315 : vector<256x1xf32> to vector<256x4096xf32>
    %eq3A_317 = arith.cmpf oeq, %select_n3A_312, %eq3A_316 : vector<256x4096xf32>
    %jit3A_318 = arith.constant 4096 : i32
    %broadcast_in_dim3A_319 = vector.broadcast %jit3A_318 : i32 to vector<256x4096xi32>
    %select_n3A_320 = arith.select %eq3A_317, %iota3A, %broadcast_in_dim3A_319 : vector<256x4096xi1>, vector<256x4096xi32>
    %reduce_min3A_321 = arith.constant dense<2147483647> : vector<256xi32>
    %reduce_min3A_322 = vector.multi_reduction <minsi>, %select_n3A_320, %reduce_min3A_321 [1] : vector<256x4096xi32> to vector<256xi32>
    %broadcast_in_dim3A_323 = vector.shape_cast %reduce_min3A_322 : vector<256xi32> to vector<256x1xi32>
    %swap3A_324 = arith.constant 0 : index
    %swap3A_325 = arith.constant 13 : index
    %swap3A_326 = vector.load %arg6[%swap3A_324, %swap3A_325] : memref<256x16xf32, #tpu.memory_space<vmem>>, vector<256x1xf32>
    tpu.vector_store %arg6[%swap3A_324, %swap3A_325], %broadcast_in_dim3A_315 {strides = array<i32>} : memref<256x16xf32, #tpu.memory_space<vmem>>, vector<256x1xf32>,
    %swap3A_327 = arith.constant 0 : index
    %swap3A_328 = arith.constant 13 : index
    %swap3A_329 = vector.load %arg5[%swap3A_327, %swap3A_328] : memref<256x16xi32, #tpu.memory_space<vmem>>, vector<256x1xi32>
    tpu.vector_store %arg5[%swap3A_327, %swap3A_328], %broadcast_in_dim3A_323 {strides = array<i32>} : memref<256x16xi32, #tpu.memory_space<vmem>>, vector<256x1xi32>,
    %add3A_330 = arith.addf %add3A_307, %broadcast_in_dim3A_315 : vector<256x1xf32>
    %eq3A_331 = vector.broadcast %broadcast_in_dim3A_323 : vector<256x1xi32> to vector<256x4096xi32>
    %eq3A_332 = arith.cmpi eq, %iota3A, %eq3A_331 : vector<256x4096xi32>
    %jit3A_333 = arith.constant 3.000000e+38 : f32
    %broadcast_in_dim3A_334 = vector.broadcast %jit3A_333 : f32 to vector<256x4096xf32>
    %select_n3A_335 = arith.select %eq3A_332, %broadcast_in_dim3A_334, %select_n3A_312 : vector<256x4096xi1>, vector<256x4096xf32>
    %reduce_min3A_336 = arith.constant dense<0x7F800000> : vector<256xf32>
    %reduce_min3A_337 = vector.multi_reduction <minimumf>, %select_n3A_335, %reduce_min3A_336 [1] : vector<256x4096xf32> to vector<256xf32>
    %broadcast_in_dim3A_338 = vector.shape_cast %reduce_min3A_337 : vector<256xf32> to vector<256x1xf32>
    %eq3A_339 = vector.broadcast %broadcast_in_dim3A_338 : vector<256x1xf32> to vector<256x4096xf32>
    %eq3A_340 = arith.cmpf oeq, %select_n3A_335, %eq3A_339 : vector<256x4096xf32>
    %jit3A_341 = arith.constant 4096 : i32
    %broadcast_in_dim3A_342 = vector.broadcast %jit3A_341 : i32 to vector<256x4096xi32>
    %select_n3A_343 = arith.select %eq3A_340, %iota3A, %broadcast_in_dim3A_342 : vector<256x4096xi1>, vector<256x4096xi32>
    %reduce_min3A_344 = arith.constant dense<2147483647> : vector<256xi32>
    %reduce_min3A_345 = vector.multi_reduction <minsi>, %select_n3A_343, %reduce_min3A_344 [1] : vector<256x4096xi32> to vector<256xi32>
    %broadcast_in_dim3A_346 = vector.shape_cast %reduce_min3A_345 : vector<256xi32> to vector<256x1xi32>
    %swap3A_347 = arith.constant 0 : index
    %swap3A_348 = arith.constant 14 : index
    %swap3A_349 = vector.load %arg6[%swap3A_347, %swap3A_348] : memref<256x16xf32, #tpu.memory_space<vmem>>, vector<256x1xf32>
    tpu.vector_store %arg6[%swap3A_347, %swap3A_348], %broadcast_in_dim3A_338 {strides = array<i32>} : memref<256x16xf32, #tpu.memory_space<vmem>>, vector<256x1xf32>,
    %swap3A_350 = arith.constant 0 : index
    %swap3A_351 = arith.constant 14 : index
    %swap3A_352 = vector.load %arg5[%swap3A_350, %swap3A_351] : memref<256x16xi32, #tpu.memory_space<vmem>>, vector<256x1xi32>
    tpu.vector_store %arg5[%swap3A_350, %swap3A_351], %broadcast_in_dim3A_346 {strides = array<i32>} : memref<256x16xi32, #tpu.memory_space<vmem>>, vector<256x1xi32>,
    %add3A_353 = arith.addf %add3A_330, %broadcast_in_dim3A_338 : vector<256x1xf32>
    %eq3A_354 = vector.broadcast %broadcast_in_dim3A_346 : vector<256x1xi32> to vector<256x4096xi32>
    %eq3A_355 = arith.cmpi eq, %iota3A, %eq3A_354 : vector<256x4096xi32>
    %jit3A_356 = arith.constant 3.000000e+38 : f32
    %broadcast_in_dim3A_357 = vector.broadcast %jit3A_356 : f32 to vector<256x4096xf32>
    %select_n3A_358 = arith.select %eq3A_355, %broadcast_in_dim3A_357, %select_n3A_335 : vector<256x4096xi1>, vector<256x4096xf32>
    %reduce_min3A_359 = arith.constant dense<0x7F800000> : vector<256xf32>
    %reduce_min3A_360 = vector.multi_reduction <minimumf>, %select_n3A_358, %reduce_min3A_359 [1] : vector<256x4096xf32> to vector<256xf32>
    %broadcast_in_dim3A_361 = vector.shape_cast %reduce_min3A_360 : vector<256xf32> to vector<256x1xf32>
    %eq3A_362 = vector.broadcast %broadcast_in_dim3A_361 : vector<256x1xf32> to vector<256x4096xf32>
    %eq3A_363 = arith.cmpf oeq, %select_n3A_358, %eq3A_362 : vector<256x4096xf32>
    %jit3A_364 = arith.constant 4096 : i32
    %broadcast_in_dim3A_365 = vector.broadcast %jit3A_364 : i32 to vector<256x4096xi32>
    %select_n3A_366 = arith.select %eq3A_363, %iota3A, %broadcast_in_dim3A_365 : vector<256x4096xi1>, vector<256x4096xi32>
    %reduce_min3A_367 = arith.constant dense<2147483647> : vector<256xi32>
    %reduce_min3A_368 = vector.multi_reduction <minsi>, %select_n3A_366, %reduce_min3A_367 [1] : vector<256x4096xi32> to vector<256xi32>
    %broadcast_in_dim3A_369 = vector.shape_cast %reduce_min3A_368 : vector<256xi32> to vector<256x1xi32>
    %swap3A_370 = arith.constant 0 : index
    %swap3A_371 = arith.constant 15 : index
    %swap3A_372 = vector.load %arg6[%swap3A_370, %swap3A_371] : memref<256x16xf32, #tpu.memory_space<vmem>>, vector<256x1xf32>
    tpu.vector_store %arg6[%swap3A_370, %swap3A_371], %broadcast_in_dim3A_361 {strides = array<i32>} : memref<256x16xf32, #tpu.memory_space<vmem>>, vector<256x1xf32>,
    %swap3A_373 = arith.constant 0 : index
    %swap3A_374 = arith.constant 15 : index
    %swap3A_375 = vector.load %arg5[%swap3A_373, %swap3A_374] : memref<256x16xi32, #tpu.memory_space<vmem>>, vector<256x1xi32>
    tpu.vector_store %arg5[%swap3A_373, %swap3A_374], %broadcast_in_dim3A_369 {strides = array<i32>} : memref<256x16xi32, #tpu.memory_space<vmem>>, vector<256x1xi32>,
    %add3A_376 = arith.addf %add3A_353, %broadcast_in_dim3A_361 : vector<256x1xf32>
    %eq3A_377 = vector.broadcast %broadcast_in_dim3A_369 : vector<256x1xi32> to vector<256x4096xi32>
    %eq3A_378 = arith.cmpi eq, %iota3A, %eq3A_377 : vector<256x4096xi32>
    %jit3A_379 = arith.constant 3.000000e+38 : f32
    %broadcast_in_dim3A_380 = vector.broadcast %jit3A_379 : f32 to vector<256x4096xf32>
    %select_n3A_381 = arith.select %eq3A_378, %broadcast_in_dim3A_380, %select_n3A_358 : vector<256x4096xi1>, vector<256x4096xf32>
    %swap3A_382 = arith.constant 0 : index
    %swap3A_383 = arith.constant 0 : index
    %swap3A_384 = vector.load %arg7[%swap3A_382, %swap3A_383] : memref<256x1xf32, #tpu.memory_space<vmem>>, vector<256x1xf32>
    tpu.vector_store %arg7[%swap3A_382, %swap3A_383], %add3A_376 {strides = array<i32>} : memref<256x1xf32, #tpu.memory_space<vmem>>, vector<256x1xf32>,
    %eq3A_385 = arith.constant 3.000000e+38 : f32
    %eq3A_386 = vector.broadcast %eq3A_385 : f32 to vector<256x4096xf32>
    %eq3A_387 = arith.cmpf oeq, %select_n3A_381, %eq3A_386 : vector<256x4096xf32>
    %jit3A_388 = arith.constant 0.000000e+00 : f32
    %broadcast_in_dim3A_389 = vector.broadcast %jit3A_388 : f32 to vector<256x4096xf32>
    %select_n3A_390 = arith.select %eq3A_387, %max3A_17, %broadcast_in_dim3A_389 : vector<256x4096xi1>, vector<256x4096xf32>
    %swap3A_391 = arith.constant 0 : index
    %swap3A_392 = arith.constant 0 : index
    %swap3A_393 = vector.load %arg8[%swap3A_391, %swap3A_392] : memref<256x4096xf32, #tpu.memory_space<vmem>>, vector<256x4096xf32>
    tpu.vector_store %arg8[%swap3A_391, %swap3A_392], %select_n3A_390 {strides = array<i32>} : memref<256x4096xf32, #tpu.memory_space<vmem>>, vector<256x4096xf32>,
    return
  }
  func.func @transform_0(%arg0: i32) -> (i32, i32) {
    %c0_i32 = arith.constant 0 : i32
    %c0_i32_0 = arith.constant 0 : i32
    return %arg0, %c0_i32 : i32, i32
  }
  func.func @transform_1(%arg0: i32) -> (i32, i32) {
    %c0_i32 = arith.constant 0 : i32
    %c0_i32_0 = arith.constant 0 : i32
    return %arg0, %c0_i32 : i32, i32
  }
  func.func @transform_2(%arg0: i32) -> (i32, i32) {
    %c0_i32 = arith.constant 0 : i32
    %c0_i32_0 = arith.constant 0 : i32
    %c0_i32_1 = arith.constant 0 : i32
    return %c0_i32, %c0_i32_0 : i32, i32
  }
  func.func @transform_3(%arg0: i32) -> (i32, i32) {
    %c0_i32 = arith.constant 0 : i32
    %c0_i32_0 = arith.constant 0 : i32
    %c0_i32_1 = arith.constant 0 : i32
    return %c0_i32, %c0_i32_0 : i32, i32
  }
  func.func @transform_4(%arg0: i32) -> (i32, i32) {
    %c0_i32 = arith.constant 0 : i32
    %c0_i32_0 = arith.constant 0 : i32
    return %arg0, %c0_i32 : i32, i32
  }
  func.func @transform_5(%arg0: i32) -> (i32, i32) {
    %c0_i32 = arith.constant 0 : i32
    %c0_i32_0 = arith.constant 0 : i32
    return %arg0, %c0_i32 : i32, i32
  }
  func.func @transform_6(%arg0: i32) -> (i32, i32) {
    %c0_i32 = arith.constant 0 : i32
    %c0_i32_0 = arith.constant 0 : i32
    return %arg0, %c0_i32 : i32, i32
  }
  func.func @transform_7(%arg0: i32) -> (i32, i32) {
    %c0_i32 = arith.constant 0 : i32
    %c0_i32_0 = arith.constant 0 : i32
    return %arg0, %c0_i32 : i32, i32
  }
}

module attributes {stable_mosaic.version = 14 : i64} {
  func.func @_rsm_body(%arg0: i32, %arg1: memref<4096x1xf32, #tpu.memory_space<vmem>>, %arg2: memref<4096x256xf32, #tpu.memory_space<vmem>>, %arg3: memref<4096x1xf32, #tpu.memory_space<vmem>>, %arg4: memref<4096x256xf32, #tpu.memory_space<vmem>>) attributes {dimension_semantics = [#tpu.dimension_semantics<arbitrary>], iteration_bounds = array<i64: 1>, scalar_prefetch = 0 : i64, scratch_operands = 0 : i64, tpu.core_type = #tpu.core_type<tc>, window_params = [{pipeline_mode = #tpu.pipeline_mode<synchronous>, transform_indices = @transform_0, window_bounds = array<i64: 4096, 1>}, {pipeline_mode = #tpu.pipeline_mode<synchronous>, transform_indices = @transform_1, window_bounds = array<i64: 4096, 256>}, {pipeline_mode = #tpu.pipeline_mode<synchronous>, transform_indices = @transform_2, window_bounds = array<i64: 4096, 1>}, {pipeline_mode = #tpu.pipeline_mode<synchronous>, transform_indices = @transform_3, window_bounds = array<i64: 4096, 256>}]} {
    %get3A = arith.constant 0 : index
    %get3A_0 = arith.constant 0 : index
    %get3A_1 = vector.load %arg1[%get3A, %get3A_0] : memref<4096x1xf32, #tpu.memory_space<vmem>>, vector<4096x1xf32>
    %gt3A = arith.constant 0.000000e+00 : f32
    %gt3A_2 = vector.broadcast %gt3A : f32 to vector<4096x1xf32>
    %gt3A_3 = arith.cmpf ogt, %get3A_1, %gt3A_2 : vector<4096x1xf32>
    %sqrt3A = math.sqrt %get3A_1 : vector<4096x1xf32>
    %div3A = arith.constant 1.000000e+00 : f32
    %div3A_4 = vector.broadcast %div3A : f32 to vector<4096x1xf32>
    %div3A_5 = arith.divf %div3A_4, %sqrt3A : vector<4096x1xf32>
    %jit3A = arith.constant 0.000000e+00 : f32
    %broadcast_in_dim3A = vector.broadcast %jit3A : f32 to vector<4096x1xf32>
    %select_n3A = arith.select %gt3A_3, %div3A_5, %broadcast_in_dim3A : vector<4096x1xi1>, vector<4096x1xf32>
    %swap3A = arith.constant 0 : index
    %swap3A_6 = arith.constant 0 : index
    %swap3A_7 = vector.load %arg3[%swap3A, %swap3A_6] : memref<4096x1xf32, #tpu.memory_space<vmem>>, vector<4096x1xf32>
    tpu.vector_store %arg3[%swap3A, %swap3A_6], %select_n3A {strides = array<i32>} : memref<4096x1xf32, #tpu.memory_space<vmem>>, vector<4096x1xf32>,
    %get3A_8 = arith.constant 0 : index
    %get3A_9 = arith.constant 0 : index
    %get3A_10 = vector.load %arg2[%get3A_8, %get3A_9] : memref<4096x256xf32, #tpu.memory_space<vmem>>, vector<4096x256xf32>
    %mul3A = vector.broadcast %select_n3A : vector<4096x1xf32> to vector<4096x256xf32>
    %mul3A_11 = arith.mulf %mul3A, %get3A_10 : vector<4096x256xf32>
    %swap3A_12 = arith.constant 0 : index
    %swap3A_13 = arith.constant 0 : index
    %swap3A_14 = vector.load %arg4[%swap3A_12, %swap3A_13] : memref<4096x256xf32, #tpu.memory_space<vmem>>, vector<4096x256xf32>
    tpu.vector_store %arg4[%swap3A_12, %swap3A_13], %mul3A_11 {strides = array<i32>} : memref<4096x256xf32, #tpu.memory_space<vmem>>, vector<4096x256xf32>,
    return
  }
  func.func @transform_0(%arg0: i32) -> (i32, i32) {
    %c0_i32 = arith.constant 0 : i32
    %c0_i32_0 = arith.constant 0 : i32
    %c0_i32_1 = arith.constant 0 : i32
    return %c0_i32, %c0_i32_0 : i32, i32
  }
  func.func @transform_1(%arg0: i32) -> (i32, i32) {
    %c0_i32 = arith.constant 0 : i32
    %c0_i32_0 = arith.constant 0 : i32
    %c0_i32_1 = arith.constant 0 : i32
    return %c0_i32, %c0_i32_0 : i32, i32
  }
  func.func @transform_2(%arg0: i32) -> (i32, i32) {
    %c0_i32 = arith.constant 0 : i32
    %c0_i32_0 = arith.constant 0 : i32
    %c0_i32_1 = arith.constant 0 : i32
    return %c0_i32, %c0_i32_0 : i32, i32
  }
  func.func @transform_3(%arg0: i32) -> (i32, i32) {
    %c0_i32 = arith.constant 0 : i32
    %c0_i32_0 = arith.constant 0 : i32
    %c0_i32_1 = arith.constant 0 : i32
    return %c0_i32, %c0_i32_0 : i32, i32
  }
}

module attributes {stable_mosaic.version = 14 : i64} {
  func.func @_mlp_body(%arg0: i32, %arg1: memref<256x256xf32, #tpu.memory_space<vmem>>, %arg2: memref<256x256xf32, #tpu.memory_space<vmem>>, %arg3: memref<1x256xf32, #tpu.memory_space<vmem>>, %arg4: memref<256x256xf32, #tpu.memory_space<vmem>>, %arg5: memref<1x256xf32, #tpu.memory_space<vmem>>, %arg6: memref<256x256xf32, #tpu.memory_space<vmem>>, %arg7: memref<256x256xf32, #tpu.memory_space<vmem>>, %arg8: memref<256x256xf32, #tpu.memory_space<vmem>>, %arg9: memref<256x1xf32, #tpu.memory_space<vmem>>) attributes {dimension_semantics = [#tpu.dimension_semantics<arbitrary>], iteration_bounds = array<i64: 16>, scalar_prefetch = 0 : i64, scratch_operands = 0 : i64, tpu.core_type = #tpu.core_type<tc>, window_params = [{transform_indices = @transform_0, window_bounds = array<i64: 256, 256>}, {pipeline_mode = #tpu.pipeline_mode<synchronous>, transform_indices = @transform_1, window_bounds = array<i64: 256, 256>}, {pipeline_mode = #tpu.pipeline_mode<synchronous>, transform_indices = @transform_2, window_bounds = array<i64: 1, 256>}, {pipeline_mode = #tpu.pipeline_mode<synchronous>, transform_indices = @transform_3, window_bounds = array<i64: 256, 256>}, {pipeline_mode = #tpu.pipeline_mode<synchronous>, transform_indices = @transform_4, window_bounds = array<i64: 1, 256>}, {pipeline_mode = #tpu.pipeline_mode<synchronous>, transform_indices = @transform_5, window_bounds = array<i64: 256, 256>}, {transform_indices = @transform_6, window_bounds = array<i64: 256, 256>}, {transform_indices = @transform_7, window_bounds = array<i64: 256, 256>}, {transform_indices = @transform_8, window_bounds = array<i64: 256, 1>}]} {
    %get3A = arith.constant 0 : index
    %get3A_0 = arith.constant 0 : index
    %get3A_1 = vector.load %arg1[%get3A, %get3A_0] : memref<256x256xf32, #tpu.memory_space<vmem>>, vector<256x256xf32>
    %get3A_2 = arith.constant 0 : index
    %get3A_3 = arith.constant 0 : index
    %get3A_4 = vector.load %arg2[%get3A_2, %get3A_3] : memref<256x256xf32, #tpu.memory_space<vmem>>, vector<256x256xf32>
    %dot_general3A = arith.constant dense<0.000000e+00> : vector<256x256xf32>
    %dot_general3A_5 = tpu.matmul %get3A_1, %get3A_4, %dot_general3A {dimension_numbers = #tpu.dot_dimension_numbers<[1], [0], [0], [1], [0, 0, 1, 1], [], []>, transpose_lhs_hint = false} : vector<256x256xf32>, vector<256x256xf32>, vector<256x256xf32> -> vector<256x256xf32>
    %get3A_6 = arith.constant 0 : index
    %get3A_7 = arith.constant 0 : index
    %get3A_8 = vector.load %arg3[%get3A_6, %get3A_7] : memref<1x256xf32, #tpu.memory_space<vmem>>, vector<1x256xf32>
    %add3A = vector.broadcast %get3A_8 : vector<1x256xf32> to vector<256x256xf32>
    %add3A_9 = arith.addf %dot_general3A_5, %add3A : vector<256x256xf32>
    %max3A = arith.constant 0.000000e+00 : f32
    %max3A_10 = vector.broadcast %max3A : f32 to vector<256x256xf32>
    %max3A_11 = arith.maximumf %add3A_9, %max3A_10 : vector<256x256xf32>
    %get3A_12 = arith.constant 0 : index
    %get3A_13 = arith.constant 0 : index
    %get3A_14 = vector.load %arg4[%get3A_12, %get3A_13] : memref<256x256xf32, #tpu.memory_space<vmem>>, vector<256x256xf32>
    %dot_general3A_15 = arith.constant dense<0.000000e+00> : vector<256x256xf32>
    %dot_general3A_16 = tpu.matmul %max3A_11, %get3A_14, %dot_general3A_15 {dimension_numbers = #tpu.dot_dimension_numbers<[1], [0], [0], [1], [0, 0, 1, 1], [], []>, transpose_lhs_hint = false} : vector<256x256xf32>, vector<256x256xf32>, vector<256x256xf32> -> vector<256x256xf32>
    %get3A_17 = arith.constant 0 : index
    %get3A_18 = arith.constant 0 : index
    %get3A_19 = vector.load %arg5[%get3A_17, %get3A_18] : memref<1x256xf32, #tpu.memory_space<vmem>>, vector<1x256xf32>
    %add3A_20 = vector.broadcast %get3A_19 : vector<1x256xf32> to vector<256x256xf32>
    %add3A_21 = arith.addf %dot_general3A_16, %add3A_20 : vector<256x256xf32>
    %swap3A = arith.constant 0 : index
    %swap3A_22 = arith.constant 0 : index
    %swap3A_23 = vector.load %arg7[%swap3A, %swap3A_22] : memref<256x256xf32, #tpu.memory_space<vmem>>, vector<256x256xf32>
    tpu.vector_store %arg7[%swap3A, %swap3A_22], %add3A_21 {strides = array<i32>} : memref<256x256xf32, #tpu.memory_space<vmem>>, vector<256x256xf32>,
    %get3A_24 = arith.constant 0 : index
    %get3A_25 = arith.constant 0 : index
    %get3A_26 = vector.load %arg6[%get3A_24, %get3A_25] : memref<256x256xf32, #tpu.memory_space<vmem>>, vector<256x256xf32>
    %dot_general3A_27 = arith.constant dense<0.000000e+00> : vector<256x256xf32>
    %dot_general3A_28 = tpu.matmul %get3A_1, %get3A_26, %dot_general3A_27 {dimension_numbers = #tpu.dot_dimension_numbers<[1], [0], [0], [1], [0, 0, 1, 1], [], []>, transpose_lhs_hint = false} : vector<256x256xf32>, vector<256x256xf32>, vector<256x256xf32> -> vector<256x256xf32>
    %swap3A_29 = arith.constant 0 : index
    %swap3A_30 = arith.constant 0 : index
    %swap3A_31 = vector.load %arg8[%swap3A_29, %swap3A_30] : memref<256x256xf32, #tpu.memory_space<vmem>>, vector<256x256xf32>
    tpu.vector_store %arg8[%swap3A_29, %swap3A_30], %dot_general3A_28 {strides = array<i32>} : memref<256x256xf32, #tpu.memory_space<vmem>>, vector<256x256xf32>,
    %mul3A = arith.mulf %add3A_21, %add3A_21 : vector<256x256xf32>
    %reduce_sum3A = arith.constant dense<0.000000e+00> : vector<256xf32>
    %reduce_sum3A_32 = vector.multi_reduction <add>, %mul3A, %reduce_sum3A [1] : vector<256x256xf32> to vector<256xf32>
    %broadcast_in_dim3A = vector.shape_cast %reduce_sum3A_32 : vector<256xf32> to vector<256x1xf32>
    %swap3A_33 = arith.constant 0 : index
    %swap3A_34 = arith.constant 0 : index
    %swap3A_35 = vector.load %arg9[%swap3A_33, %swap3A_34] : memref<256x1xf32, #tpu.memory_space<vmem>>, vector<256x1xf32>
    tpu.vector_store %arg9[%swap3A_33, %swap3A_34], %broadcast_in_dim3A {strides = array<i32>} : memref<256x1xf32, #tpu.memory_space<vmem>>, vector<256x1xf32>,
    return
  }
  func.func @transform_0(%arg0: i32) -> (i32, i32) {
    %c0_i32 = arith.constant 0 : i32
    %c0_i32_0 = arith.constant 0 : i32
    return %arg0, %c0_i32 : i32, i32
  }
  func.func @transform_1(%arg0: i32) -> (i32, i32) {
    %c0_i32 = arith.constant 0 : i32
    %c0_i32_0 = arith.constant 0 : i32
    %c0_i32_1 = arith.constant 0 : i32
    return %c0_i32, %c0_i32_0 : i32, i32
  }
  func.func @transform_2(%arg0: i32) -> (i32, i32) {
    %c0_i32 = arith.constant 0 : i32
    %c0_i32_0 = arith.constant 0 : i32
    %c0_i32_1 = arith.constant 0 : i32
    return %c0_i32, %c0_i32_0 : i32, i32
  }
  func.func @transform_3(%arg0: i32) -> (i32, i32) {
    %c0_i32 = arith.constant 0 : i32
    %c0_i32_0 = arith.constant 0 : i32
    %c0_i32_1 = arith.constant 0 : i32
    return %c0_i32, %c0_i32_0 : i32, i32
  }
  func.func @transform_4(%arg0: i32) -> (i32, i32) {
    %c0_i32 = arith.constant 0 : i32
    %c0_i32_0 = arith.constant 0 : i32
    %c0_i32_1 = arith.constant 0 : i32
    return %c0_i32, %c0_i32_0 : i32, i32
  }
  func.func @transform_5(%arg0: i32) -> (i32, i32) {
    %c0_i32 = arith.constant 0 : i32
    %c0_i32_0 = arith.constant 0 : i32
    %c0_i32_1 = arith.constant 0 : i32
    return %c0_i32, %c0_i32_0 : i32, i32
  }
  func.func @transform_6(%arg0: i32) -> (i32, i32) {
    %c0_i32 = arith.constant 0 : i32
    %c0_i32_0 = arith.constant 0 : i32
    return %arg0, %c0_i32 : i32, i32
  }
  func.func @transform_7(%arg0: i32) -> (i32, i32) {
    %c0_i32 = arith.constant 0 : i32
    %c0_i32_0 = arith.constant 0 : i32
    return %arg0, %c0_i32 : i32, i32
  }
  func.func @transform_8(%arg0: i32) -> (i32, i32) {
    %c0_i32 = arith.constant 0 : i32
    %c0_i32_0 = arith.constant 0 : i32
    return %arg0, %c0_i32 : i32, i32
  }
}

module attributes {stable_mosaic.version = 14 : i64} {
  func.func @_gcn1_body(%arg0: i32, %arg1: memref<256x4096xf32, #tpu.memory_space<vmem>>, %arg2: memref<256x1xf32, #tpu.memory_space<vmem>>, %arg3: memref<4096x256xf32, #tpu.memory_space<vmem>>, %arg4: memref<1x256xf32, #tpu.memory_space<vmem>>, %arg5: memref<256x1xf32, #tpu.memory_space<vmem>>, %arg6: memref<256x1xf32, #tpu.memory_space<vmem>>) attributes {dimension_semantics = [#tpu.dimension_semantics<arbitrary>], iteration_bounds = array<i64: 16>, scalar_prefetch = 0 : i64, scratch_operands = 0 : i64, tpu.core_type = #tpu.core_type<tc>, window_params = [{transform_indices = @transform_0, window_bounds = array<i64: 256, 4096>}, {transform_indices = @transform_1, window_bounds = array<i64: 256, 1>}, {pipeline_mode = #tpu.pipeline_mode<synchronous>, transform_indices = @transform_2, window_bounds = array<i64: 4096, 256>}, {pipeline_mode = #tpu.pipeline_mode<synchronous>, transform_indices = @transform_3, window_bounds = array<i64: 1, 256>}, {pipeline_mode = #tpu.pipeline_mode<synchronous>, transform_indices = @transform_4, window_bounds = array<i64: 256, 1>}, {transform_indices = @transform_5, window_bounds = array<i64: 256, 1>}]} {
    %get3A = arith.constant 0 : index
    %get3A_0 = arith.constant 0 : index
    %get3A_1 = vector.load %arg1[%get3A, %get3A_0] : memref<256x4096xf32, #tpu.memory_space<vmem>>, vector<256x4096xf32>
    %get3A_2 = arith.constant 0 : index
    %get3A_3 = arith.constant 0 : index
    %get3A_4 = vector.load %arg3[%get3A_2, %get3A_3] : memref<4096x256xf32, #tpu.memory_space<vmem>>, vector<4096x256xf32>
    %dot_general3A = arith.constant dense<0.000000e+00> : vector<256x256xf32>
    %dot_general3A_5 = tpu.matmul %get3A_1, %get3A_4, %dot_general3A {dimension_numbers = #tpu.dot_dimension_numbers<[1], [0], [0], [1], [0, 0, 1, 1], [], []>, transpose_lhs_hint = false} : vector<256x4096xf32>, vector<4096x256xf32>, vector<256x256xf32> -> vector<256x256xf32>
    %get3A_6 = arith.constant 0 : index
    %get3A_7 = arith.constant 0 : index
    %get3A_8 = vector.load %arg2[%get3A_6, %get3A_7] : memref<256x1xf32, #tpu.memory_space<vmem>>, vector<256x1xf32>
    %mul3A = vector.broadcast %get3A_8 : vector<256x1xf32> to vector<256x256xf32>
    %mul3A_9 = arith.mulf %dot_general3A_5, %mul3A : vector<256x256xf32>
    %get3A_10 = arith.constant 0 : index
    %get3A_11 = arith.constant 0 : index
    %get3A_12 = vector.load %arg4[%get3A_10, %get3A_11] : memref<1x256xf32, #tpu.memory_space<vmem>>, vector<1x256xf32>
    %add3A = vector.broadcast %get3A_12 : vector<1x256xf32> to vector<256x256xf32>
    %add3A_13 = arith.addf %mul3A_9, %add3A : vector<256x256xf32>
    %max3A = arith.constant 0.000000e+00 : f32
    %max3A_14 = vector.broadcast %max3A : f32 to vector<256x256xf32>
    %max3A_15 = arith.maximumf %add3A_13, %max3A_14 : vector<256x256xf32>
    %get3A_16 = arith.constant 0 : index
    %get3A_17 = arith.constant 0 : index
    %get3A_18 = vector.load %arg5[%get3A_16, %get3A_17] : memref<256x1xf32, #tpu.memory_space<vmem>>, vector<256x1xf32>
    %dot_general3A_19 = arith.constant dense<0.000000e+00> : vector<256x1xf32>
    %dot_general3A_20 = tpu.matmul %max3A_15, %get3A_18, %dot_general3A_19 {dimension_numbers = #tpu.dot_dimension_numbers<[1], [0], [0], [1], [0, 0, 1, 1], [], []>, transpose_lhs_hint = false} : vector<256x256xf32>, vector<256x1xf32>, vector<256x1xf32> -> vector<256x1xf32>
    %swap3A = arith.constant 0 : index
    %swap3A_21 = arith.constant 0 : index
    %swap3A_22 = vector.load %arg6[%swap3A, %swap3A_21] : memref<256x1xf32, #tpu.memory_space<vmem>>, vector<256x1xf32>
    tpu.vector_store %arg6[%swap3A, %swap3A_21], %dot_general3A_20 {strides = array<i32>} : memref<256x1xf32, #tpu.memory_space<vmem>>, vector<256x1xf32>,
    return
  }
  func.func @transform_0(%arg0: i32) -> (i32, i32) {
    %c0_i32 = arith.constant 0 : i32
    %c0_i32_0 = arith.constant 0 : i32
    return %arg0, %c0_i32 : i32, i32
  }
  func.func @transform_1(%arg0: i32) -> (i32, i32) {
    %c0_i32 = arith.constant 0 : i32
    %c0_i32_0 = arith.constant 0 : i32
    return %arg0, %c0_i32 : i32, i32
  }
  func.func @transform_2(%arg0: i32) -> (i32, i32) {
    %c0_i32 = arith.constant 0 : i32
    %c0_i32_0 = arith.constant 0 : i32
    %c0_i32_1 = arith.constant 0 : i32
    return %c0_i32, %c0_i32_0 : i32, i32
  }
  func.func @transform_3(%arg0: i32) -> (i32, i32) {
    %c0_i32 = arith.constant 0 : i32
    %c0_i32_0 = arith.constant 0 : i32
    %c0_i32_1 = arith.constant 0 : i32
    return %c0_i32, %c0_i32_0 : i32, i32
  }
  func.func @transform_4(%arg0: i32) -> (i32, i32) {
    %c0_i32 = arith.constant 0 : i32
    %c0_i32_0 = arith.constant 0 : i32
    %c0_i32_1 = arith.constant 0 : i32
    return %c0_i32, %c0_i32_0 : i32, i32
  }
  func.func @transform_5(%arg0: i32) -> (i32, i32) {
    %c0_i32 = arith.constant 0 : i32
    %c0_i32_0 = arith.constant 0 : i32
    return %arg0, %c0_i32 : i32, i32
  }
}

</mosaic_0001>

<sc_bundles>
// kernel: kernel.7.cloned.1.call-start
scs
__scs_entry_jumppad:
0x0: {  	(pc) =	sbr.rel $0x88, $3  }
0x1: {  	(tag) =	ssettag $0x0;
	lr =	simm.s32 $0x1  }
0x2: {  	[smem:$0x3F98] =	sst lr;
	_ =	strace $0xD0000000  }
0x3: {  	_ = 	snop  }
0x4: {  	_ = 	snop  }
0x5: {  	_ = 	snop  }
0x6: {  	_ = 	snop  }
0x7: {  	_ = 	snop  }
__scs_overlays_trampoline_lowered:
0x8: {  	[smem:$0x3FA7] =	sst s0  }
0x9: {  	[smem:$0x3FA8] =	sst s1  }
0xa: {  	[smem:$0x3FA9] =	sst s2  }
0xb: {  	[smem:$0x3FAA] =	sst s3  }
0xc: {  	[smem:$0x3FAB] =	sst s4  }
0xd: {  	[smem:$0x3FAC] =	sst s5  }
0xe: {  	[smem:$0x3FAD] =	sst s6  }
0xf: {  	[smem:$0x3FAE] =	sst s7  }
0x10: {  	[smem:$0x3FAF] =	sst s8  }
0x11: {  	[smem:$0x3FB0] =	sst s9;
	s0 =	simm.s32 @!p0 $0x0  }
0x12: {  	s1 =	sld [smem:$0x3F96];
	s0 =	simm.s32 @p0 $0x1  }
0x13: {  	[smem:$0x3FB1] =	sst s0;
	s0 =	simm.s32 @!p1 $0x0  }
0x14: {  	s2 =	sld [smem:$0x3F95];
	s0 =	simm.s32 @p1 $0x1  }
0x15: {  	[smem:$0x3FB2] =	sst s0;
	s0 =	simm.s32 @!p2 $0x0  }
0x16: {  	s3 =	sld [smem:$0x3FDB];
	s0 =	simm.s32 @p2 $0x1  }
0x17: {  	s4 =	simm.s32 $0x1BF5;
	[smem:$0x3FB4] =	sst s0  }
0x18: {  	s0 =	sld [smem:$0x3F97];
	_ =	swait.ge [sflag:s4], $0x0  }
0x19: {  	s7 =	sld [smem:$0x3F98]  }
0x1a: {  	s8 =	sadd.s32 $0xFFFFE003, lr  }
0x1b: {  	s9 =	sadd.s32 $0xFFFFFEF7, lr;
	s5 =	simm.s32 $0xFFFFFFFF;
	p2 =	slt.u32 s8, $0xFFFFF086  }
0x1c: {  	p1 =	slt.u32 s9, $0xF7A;
	s5 =	simm.s32 @!p2 $0x0  }
0x1d: {  	s5 =	simm.s32 @p1 $0x1;
	p0 =	seq.s32 s7, s2  }
0x1e: {  	s7 =	smul.u32 @!p0 $0xF7A, s2;
	p2 =	seq.s32 @!p0 s5, $0x0  }
0x1f: {  	s9 =	smul.u32 $0xF7A, s1;
	s8 =	simm.s32 @!p0 $0x1BF5;
	p2 =	por !p2, p0  }
0x20: {  	[sflag:s8] =	ssyncset.s32 @!p0 $0xFFFFF086;
	s6 =	sadd.s32 @!p0 s3, s7;
	s7 =	simm.s32 @!p0 $0x108  }
0x21: {  	s3 =	sadd.s32 s3, s9;
	s6 =	sadd.s32 @!p0 $0x88, s6;
	s7 =	simm.s32 @p2 $0x1082  }
0x22: {  	[simem:s7], [sflag:s8] =	dma.local @!p0 [hbm:s6], $0xF7A  }
0x23: {  	s9 =	sor.u32 $0xD0000000, s2;
	s6 =	simm.s32 $0x108;
	_ =	swait.ge @!p0 [sflag:s8], $0x0  }
0x24: {  	s3 =	sadd.s32 $0x88, s3;
	s6 =	simm.s32 @!p1 $0x1082;
	[sflag:s4] =	ssyncset.s32 $0xFFFFF086  }
0x25: {  	[simem:s6], [sflag:s4] =	dma.local [hbm:s3], $0xF7A  }
0x26: {  	[smem:$0x3F98] =	sst s1;
	(tag) =	ssettag s2;
	_ =	strace s9  }
0x27: {  	s1 =	sld [smem:$0x3FA8]  }
0x28: {  	s2 =	sld [smem:$0x3FA9]  }
0x29: {  	s4 =	sld [smem:$0x3FAB]  }
0x2a: {  	p0 =	seq.s32 s5, $0x0;
	s5 =	sld [smem:$0x3FAC]  }
0x2b: {  	s6 =	sld [smem:$0x3FAD]  }
0x2c: {  	s7 =	sld [smem:$0x3FAE]  }
0x2d: {  	s3 =	simm.s32 $0x108;
	s8 =	sld [smem:$0x3FAF]  }
0x2e: {  	s3 =	simm.s32 @!p0 $0x1082;
	s9 =	sld [smem:$0x3FB0]  }
0x2f: {  	lr =	sadd.s32 s0, s3;
	s0 =	sld [smem:$0x3FA7]  }
0x30: {  	s3 =	sld [smem:$0x3FAA]  }
0x31: {  	[smem:$0x3FB3] =	sst s10  }
0x32: {  	s10 =	sld [smem:$0x3FB1];
	_ =	sdelay $0x3  }
0x33: {  	p0 =	seq.s32 s10, $0x1;
	s10 =	sld [smem:$0x3FB3];
	_ =	sdelay $0x3  }
0x34: {  	[smem:$0x3FB3] =	sst s10  }
0x35: {  	s10 =	sld [smem:$0x3FB2];
	_ =	sdelay $0x3  }
0x36: {  	p1 =	seq.s32 s10, $0x1;
	s10 =	sld [smem:$0x3FB3];
	_ =	sdelay $0x3  }
0x37: {  	[smem:$0x3FB3] =	sst s10  }
0x38: {  	s10 =	sld [smem:$0x3FB4]  }
0x39: {  	_ = 	snop;
	(pc) =	sbr.ind lr, $3  }
0x3a: {  	_ = 	snop  }
0x3b: {  	_ = 	snop  }
0x3c: {  	p2 =	seq.s32 s10, $0x1;
	s10 =	sld [smem:$0x3FB3]  }
0x3d: {  	_ =	shalt  }
0x3e: {  	_ =	shalt  }
0x3f: {  	_ =	shalt  }
0x40: {  	_ =	shalt  }
0x41: {  	_ =	shalt  }
0x42: {  	_ =	shalt  }
0x43: {  	_ =	shalt  }
0x44: {  	_ =	shalt  }
0x45: {  	_ =	shalt  }
0x46: {  	_ =	shalt  }
0x47: {  	_ =	shalt  }
0x48: {  	_ =	shalt  }
0x49: {  	_ =	shalt  }
0x4a: {  	_ =	shalt  }
0x4b: {  	_ =	shalt  }
0x4c: {  	_ =	shalt  }
0x4d: {  	_ =	shalt  }
0x4e: {  	_ =	shalt  }
0x4f: {  	_ =	shalt  }
0x50: {  	_ =	shalt  }
0x51: {  	_ =	shalt  }
0x52: {  	_ =	shalt  }
0x53: {  	_ =	shalt  }
0x54: {  	_ =	shalt  }
0x55: {  	_ =	shalt  }
0x56: {  	_ =	shalt  }
0x57: {  	_ =	shalt  }
0x58: {  	_ =	shalt  }
0x59: {  	_ =	shalt  }
0x5a: {  	_ =	shalt  }
0x5b: {  	_ =	shalt  }
0x5c: {  	_ =	shalt  }
0x5d: {  	_ =	shalt  }
0x5e: {  	_ =	shalt  }
0x5f: {  	_ =	shalt  }
0x60: {  	_ =	shalt  }
0x61: {  	_ =	shalt  }
0x62: {  	_ =	shalt  }
0x63: {  	_ =	shalt  }
0x64: {  	_ =	shalt  }
0x65: {  	_ =	shalt  }
0x66: {  	_ =	shalt  }
0x67: {  	_ =	shalt  }
0x68: {  	_ =	shalt  }
0x69: {  	_ =	shalt  }
0x6a: {  	_ =	shalt  }
0x6b: {  	_ =	shalt  }
0x6c: {  	_ =	shalt  }
0x6d: {  	_ =	shalt  }
0x6e: {  	_ =	shalt  }
0x6f: {  	_ =	shalt  }
0x70: {  	_ =	shalt  }
0x71: {  	_ =	shalt  }
0x72: {  	_ =	shalt  }
0x73: {  	_ =	shalt  }
0x74: {  	_ =	shalt  }
0x75: {  	_ =	shalt  }
0x76: {  	_ =	shalt  }
0x77: {  	_ =	shalt  }
0x78: {  	_ =	shalt  }
0x79: {  	_ =	shalt  }
0x7a: {  	_ =	shalt  }
0x7b: {  	_ =	shalt  }
0x7c: {  	_ =	shalt  }
0x7d: {  	_ =	shalt  }
0x7e: {  	_ =	shalt  }
0x7f: {  	_ =	shalt  }
0x80: {  	_ =	shalt  }
0x81: {  	_ =	shalt  }
0x82: {  	_ =	shalt  }
0x83: {  	_ =	shalt  }
0x84: {  	_ =	shalt  }
0x85: {  	_ =	shalt  }
0x86: {  	_ =	shalt  }
0x87: {  	_ =	shalt  }
.Lfunc_end0:
.L_simem_size_0:
called_computation_lowered:
.L_overlay_start_0:
0x88: {  	s2 =	sld [smem:$0x3FD9]  }
0x89: {  	s3 =	sld [smem:$0x3FFE];
	_ =	sdelay $0x1  }
0x8a: {  	s1 =	srdreg.scid  }
0x8b: {  	s0 =	sand.u32 $0x1, s1  }
0x8c: {  	s14 =	sshll.u32 s0, $0xA;
	s2 =	sadd.s32 s3, s2  }
0x8d: {  	s2 =	sadd.s32 s2, s14  }
0x8e: {  	[smem:$0x3FBF] =	sst s2  }
0x8f: {  	_ = 	snop  }
0x90: {  	s2 =	sld [smem:$0x3FD0];
	_ =	sdelay $0x2  }
0x91: {  	s15 =	simm.s32 $0xA;
	s4 =	simm.s32 $0x10  }
0x92: {  	[smem:s4], [sflag:s15] =	dma.local [hbm:s2], $0x1  }
0x93: {  	_ =	swait.eq [sflag:s15], $0x1  }
0x94: {  	[sflag:s15] =	ssyncset.done $0x0  }
0x95: {  	s16 =	sld [smem:$0x10];
	[sflag:s15] =	ssyncadd.s32 $0xFFFFFFFF  }
0x96: {  	s17 =	sld [smem:$0x12];
	(tm) =	ssettm $0x1  }
0x97: {  	s18 =	sld [smem:$0x3FFB];
	_ =	sdelay $0x3  }
0x98: {  	_ =	strace s18  }
0x99: {  	s4 =	sld [smem:$0x3FFC];
	_ =	sdelay $0x3  }
0x9a: {  	_ =	strace s4  }
0x9b: {  	s4 =	sld [smem:$0x3FFD];
	_ =	sdelay $0x3  }
0x9c: {  	_ =	strace s4  }
0x9d: {  	_ =	strace $0x8FFFFFFF  }
0x9e: {  	s19 =	sld [smem:$0x3FDB];
	_ =	sdelay $0x1  }
0x9f: {  	s5 =	simm.s32 $_scs_section_size  }
0xa0: {  	s6 =	simm.s32 $_size__tile_overlayer_lowered;
	s7 =	simm.s32 $_tile_overlayer_lowered  }
0xa1: {  	s22 =	simm.s32 $0x1BFF;
	s21 =	sshll.u32 s7, $0x1;
	s4 =	sadd.s32 s5, s19  }
0xa2: {  	s8 =	simm.s32 $0x0;
	s20 =	sshll.u32 s6, $0x1;
	s6 =	sadd.s32 s21, s4  }
0xa3: {  	[timem:s8], [sflag:s22] =	dma.local [hbm:s6], s20  }
0xa4: {  	_ =	swait.ge [sflag:s22], s20  }
0xa5: {  	s5 =	ssub.s32 $0x0, s20;
	[sflag:s22] =	ssyncset.done $0x0  }
0xa6: {  	[sflag:s22] =	ssyncadd.s32 s5;
	_ =	sdelay $0x1  }
0xa7: {  	s23 =	simm.s32 $0x1B8B  }
0xa8: {  	_ =	swait.ge [sflag:s23], $0x1  }
0xa9: {  	[sflag:s23] =	ssyncset.done $0x0  }
0xaa: {  	s25 =	simm.s32 $0x1B8E;
	s24 =	sld [smem:$0x3FFE];
	[sflag:s23] =	ssyncadd.s32 $0xFFFFFFFF  }
0xab: {  	s26 =	simm.s32 $execute0_lowered;
	[smem:$0x3FD2] =	sst s25  }
0xac: {  	s6 =	sshll.u32 s26, $0x1;
	_ =	strace $0x80000046;
	[dreg:$0x1] =	wrdreg $0xFFFFFFFF  }
0xad: {  	s28 =	simm.s32 $_size_execute0_lowered;
	s4 =	sadd.s32 s4, s6;
	[dreg:$0x0] =	wrdreg $0x0  }
0xae: {  	s6 =	sshll.u32 s28, $0x1;
	[dreg:$0x2] =	wrdreg s4  }
0xaf: {  	[dreg:$0x3] =	wrdreg s6  }
0xb0: {  	[dreg:$0x4] =	wrdreg $0xC0  }
0xb1: {  	_ =	task [dreg:s8], $0x5FFFF  }
0xb2: {  	[dreg:$0x1] =	wrdreg $0xFFFFFFFF  }
0xb3: {  	[dreg:$0x0] =	wrdreg $0x60  }
0xb4: {  	[dreg:$0x2] =	wrdreg s24  }
0xb5: {  	[dreg:$0x3] =	wrdreg s17  }
0xb6: {  	[dreg:$0x4] =	wrdreg s16  }
0xb7: {  	[dreg:$0x5] =	wrdreg $0x9  }
0xb8: {  	_ =	task.clear_ibuf [dreg:s8], $0x6FFFF;
	_ =	strace $0x90000046  }
0xb9: {  	s29 =	simm.s32 $0x9;
	_ =	strace $0x80000048  }
0xba: {  	_ =	swait.ge [sflag:s29], $0x1  }
0xbb: {  	[sflag:s29] =	ssyncadd.s32 $0xFFFFFFFF  }
0xbc: {  	_ =	strace $0x90000048  }
0xbd: {  	_ =	sfence  }
0xbe: {  	s30 =	sld [smem:$0x0];
	_ =	sdelay $0x2  }
0xbf: {  	s31 =	sshll.u32 s1, $0xD;
	s1 =	sshrl.u32 s1, $0x2  }
0xc0: {  	s3 =	sand.u32 $0x4000, s31;
	s1 =	sadd.s32 s1, s30  }
0xc1: {  	s0 =	sor.u32 s3, s0;
	s1 =	sshll.u32 s1, $0x11  }
0xc2: {  	s0 =	sor.u32 s1, s0  }
0xc3: {  	s0 =	sadd.s32 $0x8F2B, s0  }
0xc4: {  	[sflag:s0] =	ssyncadd.remote.s32 $0x1  }
0xc5: {  	_ =	sfence.sel $0xFFFF  }
0xc6: {  	[dreg:$0x0] =	wrdreg $0xFFFFFFFF;
	(pc) =	sbr.abs _section_cstart, $3  }
0xc7: {  	[dreg:$0x1] =	wrdreg $0xFFFFFFFF  }
0xc8: {  	_ =	task.clear_ibuf [dreg:s8], $0x2FFFF;
	_ =	strace $0x9FFFFFFF  }
0xc9: {  	(tm) =	ssettm $0x7FFFFFFF  }
tec
execute0_lowered:
.L_overlay_start_1:
0x0: {  	(tag) =	ssettag $0x1  }
0x1: {  	s5 =	rddreg [dreg:$0x0]  }
0x2: {  	s7 =	rddreg [dreg:$0x1]  }
0x3: {  	s8 =	rddreg [dreg:$0x2]  }
0x4: {  	s0 =	rddreg [dreg:$0x3]  }
0x5: {  	s3 =	srdreg.scid;
	s1 =	stileid.u32;
	s2 =	simm.s32 $0x0  }
0x6: {  	s14 =	simm.s32 $0x3000;
	s15 =	simm.s32 $0x3080;
	s16 =	simm.s32 $0x0  }
0x7: {  	s9 =	sand.u32 $0x1, s3;
	s29 =	sshll.u32 s1, $0x1;
	[smem:$0x7FF] =	sst s2  }
0x8: {  	s3 =	sadd.s32 $0x200800, s5;
	s4 =	sadd.s32 $0x800, s5;
	s30 =	sshll.u32 s1, $0x8  }
0x9: {  	s10 =	sor.u32 s9, s29;
	_ =	strace $0x80000047;
	s12 =	ssub.s32 $0x2, s9  }
0xa: {  	s31 =	sshll.u32 s9, $0x7;
	s11 =	sshll.u32 s10, $0x8;
	s13 =	sshrl.u32 s12, $0x1  }
0xb: {  	s10 =	sshll.u32 s10, $0x4;
	s6 =	sadd.s32 s11, s5;
	s5 =	sadd.s32 $0x2A00, s5  }
0xc: {  	s12 =	ssub.s32 s12, s13;
	s7 =	sadd.s32 s7, s11;
	s8 =	sadd.s32 s8, s10  }
0xd: {  	s10 =	sor.u32 s31, s30;
	s11 =	simm.s32 $0x1;
	s13 =	simm.s32 $0x2000  }
0xe: {  	v0 =	vlaneseq.u32;
	s6 =	sadd.s32 $0xA00, s6;
	s9 =	smax.u32 s12, $0x1;
	s12 =	simm.s32 $0x1000  }
.LBB2_1:
0xf: {  	[tilespmem:s2], [sflag:$0x1] =	stream.linear.gather [hbm4b:s6+s2], $0x800, $0x38;
	[tilespmem:$0x3100] =	vst v63  }
0x10: {  	_ =	swait.ge [sflag:s11], $0x800  }
0x11: {  	[sflag:s11] =	ssyncset.done $0x0  }
0x12: {  	s17 =	simm.s32 $0x800;
	[sflag:s11] =	ssyncadd.s32 $0xFFFFF800  }
0x13: {  	[tilespmem:s17], [sflag:$0x1] =	stream.linear.gather [hbm4b:s7+s2], $0x800, $0x38;
	[tilespmem:$0x3100] =	vst v63  }
0x14: {  	_ =	swait.ge [sflag:s11], $0x800  }
0x15: {  	[sflag:s11] =	ssyncset.done $0x0  }
0x16: {  	[sflag:s11] =	ssyncadd.s32 $0xFFFFF800  }
0x17: {  	[tilespmem:s12], [sflag:$0x1] =	stream.linear.gather [hbm4b:s3+s2], $0x1000, $0x38;
	[tilespmem:$0x3100] =	vst v63  }
0x18: {  	_ =	swait.ge [sflag:s11], $0x1000  }
0x19: {  	[sflag:s11] =	ssyncset.done $0x0  }
0x1a: {  	[sflag:s11] =	ssyncadd.s32 $0xFFFFF000  }
0x1b: {  	[tilespmem:s13], [sflag:$0x1] =	stream.linear.gather [hbm4b:s4+s2], $0x1000, $0x38;
	[tilespmem:$0x3100] =	vst v63  }
0x1c: {  	_ =	swait.ge [sflag:s11], $0x1000  }
0x1d: {  	[sflag:s11] =	ssyncset.done $0x0  }
0x1e: {  	[sflag:s11] =	ssyncadd.s32 $0xFFFFF000  }
0x1f: {  	[tilespmem:s14], [sflag:$0x1] =	stream.linear.gather [hbm4b:s5+s2], $0x80, $0x38;
	[tilespmem:$0x3100] =	vst v63  }
0x20: {  	_ =	swait.ge [sflag:s11], $0x80  }
0x21: {  	s18 =	simm.s32 $0x0;
	[sflag:s11] =	ssyncset.done $0x0  }
0x22: {  	s19 =	smov.u32 s10;
	s20 =	simm.s32 $0x0;
	[sflag:s11] =	ssyncadd.s32 $0xFFFFFF80  }
.LBB2_2:
0x23: {  	v1 =	vld [tilespmem:s18+$0x0];
	_ =	sdelay $0x3  }
0x24: {  	s22 =	sadd.s32 $0x0, s19  }
0x25: {  	s21 =	sadd.s32 $0x10, s18;
	v2 =	vmov s22  }
0x26: {  	v3 =	vld [tilespmem:s21+$0x0]  }
0x27: {  	v4 =	vld [tilespmem:s17+$0x0]  }
0x28: {  	v5 =	vld.idx.msk [tilespmem:v1+s12+$0x0], $0xffff;
	_ =	sdelay $0x1  }
0x29: {  	v6 =	vld.idx.msk [tilespmem:v2+s12+$0x0], $0xffff;
	_ =	sdelay $0x1  }
0x2a: {  	v1 =	vld.idx.msk [tilespmem:v1+s13+$0x0], $0xffff  }
0x2b: {  	s30 =	sadd.s32 $0x1, s19;
	v4 =	vmul.f32 v5, v4  }
0x2c: {  	v7 =	vmov s30;
	v9 =	vld.idx.msk [tilespmem:v3+s12+$0x0], $0xffff  }
0x2d: {  	s21 =	sadd.s32 $0x10, s21;
	v10 =	vld.idx.msk [tilespmem:v3+s13+$0x0], $0xffff;
	v3 =	vmul.f32 v6, v4  }
0x2e: {  	s31 =	sadd.s32 $0x10, s17;
	v2 =	vld [tilespmem:s21+$0x0]  }
0x2f: {  	v8 =	vld [tilespmem:s31+$0x0];
	v6 =	vmul.f32 v1, v3;
	_ =	sdelay $0x1  }
0x30: {  	v7 =	vld.idx.msk [tilespmem:v7+s12+$0x0], $0xffff;
	(xrf2) =	vadd.scan.msk.f32 $0xffff, v6;
	_ =	sdelay $0x1  }
0x31: {  	s28 =	sadd.s32 $0x2, s19  }
0x32: {  	v4 =	vmul.f32 v9, v8;
	v6 =	vmov s28;
	_ =	sdelay $0x1  }
0x33: {  	s25 =	sadd.s32 $0x10, s31;
	v5 =	vld.idx.msk [tilespmem:v2+s12+$0x0], $0xffff;
	v7 =	vmul.f32 v7, v4  }
0x34: {  	s23 =	simm.s32 $0x1;
	s24 =	simm.s32 $0x2;
	s26 =	sadd.s32 $0x10, s21;
	v3 =	vld [tilespmem:s25+$0x0]  }
0x35: {  	s22 =	simm.s32 $0x0;
	s21 =	simm.s32 $0x3;
	v1 =	vimm.f32 $0.0e+00;
	v4 =	vld [tilespmem:s26+$0x0];
	s28 =	simm.s32 $0x4;
	v7 =	vmul.f32 v10, v7  }
.LBB2_3:
0x36: {  	p0 =	sne.s32 s28, $0xF;
	v8 =	vld.idx.msk [tilespmem:v6+s12+$0x0], $0xffff  }
0x37: {  	(xrf2) =	vadd.scan.msk.f32 $0xffff, v7  }
0x38: {  	v7 =	vld.idx.msk [tilespmem:v2+s13+$0x0], $0xffff;
	v2, _, _ =	vpop (xrf2)  }
0x39: {  	s29 =	sadd.s32 s21, s19;
	v9 =	vmov s22;
	s22 =	smov.u32 s23;
	s23 =	smov.u32 s24;
	v10 =	vbroadcast v2, $0xF  }
.Ltmp0:
0x3a: {  	s24 =	smov.u32 s21;
	s21 =	smov.u32 s28;
	v6 =	vmov s29;
	vm0 =	veq.s32 v9, v0;
	v5 =	vmul.f32 v5, v3;
	v2 =	vmovc v4;
	(pc) =	sbr.rel @p0 .LBB2_3-.Ltmp0, $4  }
0x3b: {  	s25 =	sadd.s32 $0x10, s25;
	v1 =	vsel vm0, v10, v1  }
0x3c: {  	v8 =	vmul.f32 v8, v5;
	v3 =	vld [tilespmem:s25+$0x0]  }
0x3d: {  	s26 =	sadd.s32 $0x10, s26;
	v5 =	vld.idx.msk [tilespmem:v4+s12+$0x0], $0xffff  }
0x3e: {  	s28 =	sadd.s32 $0x1, s28;
	v7 =	vmul.f32 v7, v8;
	v4 =	vld [tilespmem:s26+$0x0]  }
0x3f: {  	_ =	sdelay $0x3  }
0x40: {  	s26 =	sadd.s32 s21, s19  }
0x41: {  	v8 =	vmov s26  }
0x42: {  	s25 =	sadd.s32 $0x10, s25  }
0x43: {  	v9 =	vld [tilespmem:s25+$0x0]  }
0x44: {  	v10 =	vld.idx.msk [tilespmem:v4+s12+$0x0], $0xffff  }
0x45: {  	v6 =	vld.idx.msk [tilespmem:v6+s12+$0x0], $0xffff  }
0x46: {  	v8 =	vld.idx.msk [tilespmem:v8+s12+$0x0], $0xffff  }
0x47: {  	v2 =	vld.idx.msk [tilespmem:v2+s13+$0x0], $0xffff  }
0x48: {  	v3 =	vmul.f32 v5, v3;
	v58 =	vld.idx.msk [tilespmem:v4+s13+$0x0], $0xffff  }
0x49: {  	v59 =	vmul.f32 v10, v9  }
0x4a: {  	v3 =	vmul.f32 v6, v3  }
0x4b: {  	v5 =	vmul.f32 v8, v59  }
0x4c: {  	(xrf2) =	vadd.scan.msk.f32 $0xffff, v7;
	v2 =	vmul.f32 v2, v3  }
0x4d: {  	v3 =	vmul.f32 v58, v5  }
0x4e: {  	(xrf2) =	vadd.scan.msk.f32 $0xffff, v2  }
0x4f: {  	(xrf2) =	vadd.scan.msk.f32 $0xffff, v3;
	_ =	sdelay $0x3  }
0x50: {  	v2, _, _ =	vpop (xrf2)  }
0x51: {  	v2 =	vbroadcast v2, $0xF;
	_ =	sdelay $0x1  }
0x52: {  	v60 =	vmov s22;
	v3, _, _ =	vpop (xrf2)  }
0x53: {  	v61 =	vmov s23;
	vm0 =	veq.s32 v60, v0;
	v3 =	vbroadcast v3, $0xF  }
0x54: {  	v62 =	vld [tilespmem:$0x3000];
	vm13 =	veq.s32 v61, v0;
	v1 =	vsel vm0, v2, v1;
	v2, _, _ =	vpop (xrf2)  }
0x55: {  	s31 =	sshll.u32 s20, $0x4;
	s20 =	sadd.s32 $0x1, s20;
	v1 =	vsel vm13, v3, v1;
	v3 =	vmov s24;
	v2 =	vbroadcast v2, $0xF;
	v63, _, _ =	vpop (xrf2)  }
0x56: {  	p0 =	sne.s32 s20, $0x8;
	vm14 =	veq.s32 v3, v0;
	v3 =	vmov s21;
	v5 =	vbroadcast v63, $0xF  }
.Ltmp1:
0x57: {  	v1 =	vsel vm14, v2, v1;
	vm15 =	veq.s32 v3, v0;
	(pc) =	sbr.rel @p0 .LBB2_2-.Ltmp1, $4  }
0x58: {  	v1 =	vsel vm15, v5, v1  }
0x59: {  	v1 =	vadd.f32 v62, v1  }
0x5a: {  	s21 =	sand.u32 $0x3FFFFFF0, s31  }
0x5b: {  	s19 =	sadd.s32 $0x10, s19;
	s18 =	sadd.s32 $0x100, s18;
	s17 =	sadd.s32 $0x100, s17;
	[tilespmem:s21+$0x3080] =	vst v1  }
0x5c: {  	s16 =	sadd.s32 $0x1, s16  }
0x5d: {  	p0 =	sne.s32 s16, s9  }
.Ltmp2:
0x5e: {  	_ = 	snop;
	(pc) =	sbr.rel @p0 .LBB2_1-.Ltmp2, $4  }
0x5f: {  	[hbm4b:s8+s2] =	stream.linear.scatter [tilespmem:s15], [sflag:$0x1], $0x80, $0x38;
	[tilespmem:$0x3100] =	vst v63  }
0x60: {  	_ =	swait.ge [sflag:s11], $0x80  }
0x61: {  	[sflag:s11] =	ssyncset.done $0x0  }
0x62: {  	[sflag:s11] =	ssyncadd.s32 $0xFFFFFF80  }
0x63: {  	_ =	sfence.sel $0x180000  }
0x64: {  	[bflag:$0x0] =	sbarrier.arrive $0xFFFF  }
0x65: {  	p0 =	sne.s32 s1, $0x0;
	_ =	strace $0x90000047  }
0x66: {  	s0 =	sadd.s32 @!p0 $0x100000, s0;
	[bflag:$0x2] =	sbarrier.arrive $0xFFFF  }
0x67: {  	[sflag:s0] =	ssyncadd.tile.s32 @!p0 $0x1;
	_ =	shalt  }
.Lfunc_end2:
_tile_overlayer_lowered:
.L_overlay_start_2:
0x68: {  	(tag) =	ssettag $0x2  }
0x69: {  	s0 =	rddreg [dreg:$0x0];
	s2 =	stileid.u32  }
0x6a: {  	s1 =	rddreg [dreg:$0x1];
	p0 =	sne.s32 s2, $0x0  }
0x6b: {  	s3 =	rddreg [dreg:$0x2];
	[bflag:$0x3] =	sbarrier.arrive $0xFFFF;
	s2 =	simm.s32 @!p0 $0x1C01  }
0x6c: {  	[timem:s3], [sflag:s2] =	dma.local @!p0 [hbm:s0], s1  }
0x6d: {  	s0 =	simm.s32 @!p0 $0x1  }
0x6e: {  	_ =	swait.ge @!p0 [sflag:s0], s1  }
0x6f: {  	s1 =	ssub.s32 @!p0 $0x0, s1;
	[sflag:s0] =	ssyncset.done @!p0 $0x0  }
0x70: {  	[sflag:s0] =	ssyncadd.s32 @!p0 s1  }
0x71: {  	[bflag:$0x3] =	sbarrier.arrive $0xFFFF  }
0x72: {  	_ =	shalt  }

</sc_bundles>
